<compile_context>
chip_gen: v7x
topology: tpu7x:2x2x1
jax: 0.10.2.dev20260603
libtpu: 0.0.44.dev20260713+nightly
codegen_flags: <defaults>
</compile_context>

<pallas_src>
import functools

import jax
import jax.numpy as jnp
from jax import lax
from jax.experimental import pallas as pl
from jax.experimental.pallas import tpu as pltpu
from jax.experimental.pallas import tpu_sc as plsc

NC = 2
NS = 16
L = 16
NW = NC * NS

N_ROWS = 16384
ROW_LEN = 2560
VPR = ROW_LEN // L
ROWS_PER_W = N_ROWS // NW
CH = 16
N_CHUNKS = ROWS_PER_W // CH
CAND = ROW_LEN + L

_NEG_INF = float("-inf")


def _row_topk_stats(row_buf, i, hit_v, hit_i, cand_v, cand_i, lane_iota):
    ninf = jnp.full((L,), _NEG_INF, jnp.float32)

    @plsc.parallel_loop(0, VPR, unroll=8, carry=(ninf, ninf))
    def p1_loop(j, carry):
        m1, m2 = carry
        v = row_buf[i, pl.ds(j * L, L)]
        lo = jnp.minimum(m1, v)
        return (jnp.maximum(m1, v), jnp.maximum(m2, lo))
    m1, m2 = p1_loop
    top16 = jnp.maximum(lax.rev(jnp.sort(m1), (0,)), jnp.sort(m2))
    s16 = jnp.sort(top16)
    t = s16.at[jnp.full((L,), L - 10, jnp.int32)].get(
        mode="promise_in_bounds")

    def p2(j, carry):
        hitbase, idxv = carry
        v = row_buf[i, pl.ds(j * L, L)]
        msk = v >= t
        pc = plsc.all_reduce_population_count(msk)
        dst = hitbase + lane_iota
        plsc.store_scatter(hit_v, [dst], v)
        plsc.store_scatter(hit_i, [dst], idxv)
        return (hitbase + jnp.minimum(pc, 1) * L, idxv + L)
    hitbase, _ = lax.fori_loop(0, VPR, p2,
                               (jnp.zeros((L,), jnp.int32), lane_iota),
                               unroll=8)
    n_hit = (jnp.max(hitbase.astype(jnp.float32)) *
             jnp.float32(1.0 / L)).astype(jnp.int32)

    def p25(j, cnt):
        hv = hit_v[pl.ds(j * L, L)]
        hi = hit_i[pl.ds(j * L, L)]
        msk = hv >= t
        plsc.store_compressed(cand_v.at[pl.ds(cnt, L)], hv, mask=msk)
        plsc.store_compressed(cand_i.at[pl.ds(cnt, L)], hi, mask=msk)
        return cnt + jnp.sum(msk.astype(jnp.int32))
    cnt = lax.fori_loop(0, n_hit, p25, jnp.int32(0))

    cand_v[pl.ds(cnt, L)] = ninf
    cand_i[pl.ds(cnt, L)] = jnp.zeros((L,), jnp.int32)

    def p3(j, carry):
        a_v, a_i = carry
        bv = cand_v[pl.ds(j * L, L)]
        bi = cand_i[pl.ds(j * L, L)]
        bv_s, bi_s = plsc.sort_key_val(bv, bi, descending=False)
        gt = bv_s > a_v
        cv = jnp.where(gt, bv_s, a_v)
        ci = jnp.where(gt, bi_s, a_i)
        cv_s, ci_s = plsc.sort_key_val(cv, ci, descending=True)
        return (cv_s, ci_s)
    n_merge = (cnt + (L - 1)) // L
    a_v0 = jnp.full((L,), _NEG_INF, jnp.float32)
    a_i0 = jnp.zeros((L,), jnp.int32)
    top_v, top_i = lax.fori_loop(0, n_merge, p3, (a_v0, a_i0))

    m10 = lane_iota < 10
    ti_f = top_i.astype(jnp.float32)
    mean_idx = jnp.sum(jnp.where(m10, ti_f, 0.0)) * jnp.float32(0.1)
    max_freq = ti_f.at[jnp.zeros((L,), jnp.int32)].get(
        mode="promise_in_bounds")
    msq = jnp.sum(jnp.where(m10, top_v * top_v, 0.0)) * jnp.float32(0.1)
    msq_c = jnp.maximum(msq, jnp.float32(1e-30))
    bits = lax.bitcast_convert_type(msq_c, jnp.int32)
    bits = jnp.int32(0x5F3759DF) - (bits >> 1)
    y = lax.bitcast_convert_type(bits, jnp.float32)
    half = jnp.float32(0.5) * msq_c
    for _ in range(3):
        y = y * (jnp.float32(1.5) - half * y * y)
    rms = msq_c * y
    return mean_idx, max_freq, rms


def _sc_body(x_hbm, out_hbm, row_a, row_b, hit_v, hit_i, cand_v, cand_i,
             out_buf, sem_a, sem_b):
    wid = lax.axis_index("s") * NC + lax.axis_index("c")
    base = wid * ROWS_PER_W
    lane_iota = lax.iota(jnp.int32, L)
    m3 = lane_iota < 3

    def chunk_src(c):
        return x_hbm.at[pl.ds(base + c * CH, CH), :]

    def process(row_buf, c):
        def row_loop(i, _):
            mean_idx, max_freq, rms = _row_topk_stats(
                row_buf, i, hit_v, hit_i, cand_v, cand_i, lane_iota)
            r = c * CH + i
            res = jnp.where(lane_iota == 0, mean_idx,
                            jnp.where(lane_iota == 1, max_freq, rms))
            plsc.store_compressed(out_buf.at[pl.ds(r * 3, L)], res, mask=m3)
            return 0
        lax.fori_loop(0, CH, row_loop, 0)

    pltpu.async_copy(chunk_src(0), row_a, sem_a)

    def pair_loop(p, _):
        c0 = 2 * p
        pltpu.async_copy(chunk_src(c0 + 1), row_b, sem_b)
        pltpu.make_async_copy(chunk_src(c0), row_a, sem_a).wait()
        process(row_a, c0)

        @pl.when(c0 + 2 < N_CHUNKS)
        def _():
            pltpu.async_copy(chunk_src(c0 + 2), row_a, sem_a)
        pltpu.make_async_copy(chunk_src(c0 + 1), row_b, sem_b).wait()
        process(row_b, c0 + 1)
        return 0

    lax.fori_loop(0, N_CHUNKS // 2, pair_loop, 0)
    pltpu.sync_copy(out_buf.at[pl.ds(0, ROWS_PER_W * 3)],
                    out_hbm.at[pl.ds(base * 3, ROWS_PER_W * 3)])


@functools.partial(jax.jit, static_argnames=())
def kernel(inputs):
    mesh = plsc.VectorSubcoreMesh(
        core_axis_name="c", subcore_axis_name="s",
        num_cores=NC, num_subcores=NS)
    f = pl.kernel(
        _sc_body,
        out_type=jax.ShapeDtypeStruct((N_ROWS * 3,), jnp.float32),
        mesh=mesh,
        compiler_params=pltpu.CompilerParams(needs_layout_passes=False),
        scratch_types=[
            pltpu.VMEM((CH, ROW_LEN), jnp.float32),
            pltpu.VMEM((CH, ROW_LEN), jnp.float32),
            pltpu.VMEM((CAND,), jnp.float32),
            pltpu.VMEM((CAND,), jnp.int32),
            pltpu.VMEM((CAND,), jnp.float32),
            pltpu.VMEM((CAND,), jnp.int32),
            pltpu.VMEM((ROWS_PER_W * 3 + L,), jnp.float32),
            pltpu.SemaphoreType.DMA,
            pltpu.SemaphoreType.DMA,
        ],
    )
    return f(inputs).reshape(N_ROWS, 3)

# --- scband reference (transcript-rebuilt; emitter-appended) ---
"""Pipeline reference for scband-fft-health-state-analysis-60224031425110 (READ-ONLY COPY).

The authoritative reference and input builder live on the scoring server;
editing this copy changes nothing except your own understanding.
"""

import jax, jax.numpy as jnp
import numpy as np


def setup_inputs(seed: int = 0) -> dict:
    key = jax.random.key(seed)
    inputs = jax.random.normal(key, (16384, 2560), dtype=jnp.float32)
    return {"inputs": inputs}


def reference(inputs):
    # top-10 values and indices along feature dim
    vals10, idx10 = jax.lax.top_k(inputs, 10)
    top_10_mean_freq = jnp.mean(idx10.astype(jnp.float32), axis=1)
    # top-1 index (argmax frequency bin)
    _, idx1 = jax.lax.top_k(inputs, 1)
    max_freq = idx1.astype(jnp.float32).squeeze(-1)
    # RMS of top-10 values
    top10_rms = jnp.sqrt(jnp.mean(vals10 ** 2, axis=1))
    stacked_stats = jnp.stack([top_10_mean_freq, max_freq, top10_rms], axis=1)
    return stacked_stats.reshape(inputs.shape[0], -1)

if __name__ == "__main__":
    import jax
    _d = setup_inputs()
    print(jax.jit(kernel)(*tuple(_d.values())))

</pallas_src>

<mosaic_0001>
#map = affine_map<(d0, d1) -> (0, 0)>
#map1 = affine_map<(d0, d1) -> (0)>
module attributes {stable_mosaic.version = 14 : i64} {
  func.func @_sc_body(%arg0: i32, %arg1: i32, %arg2: memref<16384x2560xf32, #tpu.memory_space<hbm>>, %arg3: memref<49152xf32, #tpu.memory_space<hbm>>, %arg4: memref<16x2560xf32, #tpu.memory_space<vmem>>, %arg5: memref<16x2560xf32, #tpu.memory_space<vmem>>, %arg6: memref<2576xf32, #tpu.memory_space<vmem>>, %arg7: memref<2576xi32, #tpu.memory_space<vmem>>, %arg8: memref<2576xf32, #tpu.memory_space<vmem>>, %arg9: memref<2576xi32, #tpu.memory_space<vmem>>, %arg10: memref<1552xf32, #tpu.memory_space<vmem>>, %arg11: memref<!tpu.dma_semaphore, #tpu.memory_space<semaphore_mem>>, %arg12: memref<!tpu.dma_semaphore, #tpu.memory_space<semaphore_mem>>) attributes {dimension_semantics = [#tpu.dimension_semantics<core_parallel>, #tpu.dimension_semantics<subcore_parallel>], iteration_bounds = array<i64: 2, 16>, scalar_prefetch = 0 : i64, scratch_operands = 9 : i64, tpu.core_type = #tpu.core_type<sc_vector_subcore>, window_params = [{transform_indices = #map}, {transform_indices = #map1}]} {
    %mul3A = arith.constant 2 : i32
    %mul3A_0 = arith.muli %arg1, %mul3A : i32
    %add3A = arith.addi %mul3A_0, %arg0 : i32
    %mul3A_1 = arith.constant 512 : i32
    %mul3A_2 = arith.muli %add3A, %mul3A_1 : i32
    %iota3A = tpu.iota {dimensions = array<i32: 0>} : vector<16xi32>
    %lt3A = arith.constant 3 : i32
    %lt3A_3 = vector.broadcast %lt3A : i32 to vector<16xi32>
    %lt3A_4 = arith.cmpi slt, %iota3A, %lt3A_3 : vector<16xi32>
    %add3A_5 = arith.constant 0 : i32
    %add3A_6 = arith.addi %mul3A_2, %add3A_5 : i32
    %dma_start3A = arith.constant 0 : i32
    %dma_start3A_7 = tpu.memref_slice %arg2[%add3A_6, %dma_start3A] : memref<16384x2560xf32, #tpu.memory_space<hbm>> -> memref<16x2560xf32, #tpu.memory_space<hbm>>
    %dma_start3A_8 = arith.constant 0 : i32
    %dma_start3A_9 = tpu.memref_slice %arg2[%add3A_6, %dma_start3A_8] : memref<16384x2560xf32, #tpu.memory_space<hbm>> -> memref<16x2560xf32, #tpu.memory_space<hbm>>
    tpu.enqueue_dma source(%dma_start3A_9 : memref<16x2560xf32, #tpu.memory_space<hbm>>) target(%arg4 : memref<16x2560xf32, #tpu.memory_space<vmem>>) target_semaphore(%arg11 : memref<!tpu.dma_semaphore, #tpu.memory_space<semaphore_mem>>)
    %scan3A = arith.constant 0 : i32
    %scan3A_10 = arith.constant 0 : i32
    %scan3A_11 = arith.constant 16 : i32
    %scan3A_12 = arith.addi %scan3A_10, %scan3A_11 : i32
    %scan3A_13 = arith.constant 1 : i32
    %scan3A_14 = scf.for %scan3A_18 = %scan3A_10 to %scan3A_12 step %scan3A_13 iter_args(%scan3A_19 = %scan3A) -> (i32)  : i32 {
      %mul3A_20 = arith.constant 2 : i32
      %mul3A_21 = arith.muli %mul3A_20, %scan3A_18 : i32
      %add3A_22 = arith.constant 1 : i32
      %add3A_23 = arith.addi %mul3A_21, %add3A_22 : i32
      %mul3A_24 = arith.constant 16 : i32
      %mul3A_25 = arith.muli %add3A_23, %mul3A_24 : i32
      %add3A_26 = arith.addi %mul3A_2, %mul3A_25 : i32
      %dma_start3A_27 = arith.constant 0 : i32
      %dma_start3A_28 = tpu.memref_slice %arg2[%add3A_26, %dma_start3A_27] : memref<16384x2560xf32, #tpu.memory_space<hbm>> -> memref<16x2560xf32, #tpu.memory_space<hbm>>
      %dma_start3A_29 = arith.constant 0 : i32
      %dma_start3A_30 = tpu.memref_slice %arg2[%add3A_26, %dma_start3A_29] : memref<16384x2560xf32, #tpu.memory_space<hbm>> -> memref<16x2560xf32, #tpu.memory_space<hbm>>
      tpu.enqueue_dma source(%dma_start3A_30 : memref<16x2560xf32, #tpu.memory_space<hbm>>) target(%arg5 : memref<16x2560xf32, #tpu.memory_space<vmem>>) target_semaphore(%arg12 : memref<!tpu.dma_semaphore, #tpu.memory_space<semaphore_mem>>)
      %mul3A_31 = arith.constant 16 : i32
      %mul3A_32 = arith.muli %mul3A_21, %mul3A_31 : i32
      %add3A_33 = arith.addi %mul3A_2, %mul3A_32 : i32
      %dma_wait3A = arith.constant 0 : i32
      %dma_wait3A_34 = tpu.memref_slice %arg2[%add3A_33, %dma_wait3A] : memref<16384x2560xf32, #tpu.memory_space<hbm>> -> memref<16x2560xf32, #tpu.memory_space<hbm>>
      %dma_wait3A_35 = arith.constant 0 : i32
      %dma_wait3A_36 = tpu.memref_slice %arg2[%add3A_33, %dma_wait3A_35] : memref<16384x2560xf32, #tpu.memory_space<hbm>> -> memref<16x2560xf32, #tpu.memory_space<hbm>>
      tpu.wait_dma2 semaphore(%arg11 : memref<!tpu.dma_semaphore, #tpu.memory_space<semaphore_mem>>) src(%dma_wait3A_36 : memref<16x2560xf32, #tpu.memory_space<hbm>>) dst(%arg4 : memref<16x2560xf32, #tpu.memory_space<vmem>>)
      %scan3A_37 = arith.constant 0 : i32
      %scan3A_38 = arith.constant 0 : i32
      %scan3A_39 = arith.constant 16 : i32
      %scan3A_40 = arith.addi %scan3A_38, %scan3A_39 : i32
      %scan3A_41 = arith.constant 1 : i32
      %scan3A_42 = scf.for %scan3A_68 = %scan3A_38 to %scan3A_40 step %scan3A_41 iter_args(%scan3A_69 = %scan3A_37) -> (i32)  : i32 {
        %broadcast_in_dim3A = arith.constant 0xFF800000 : f32
        %broadcast_in_dim3A_70 = vector.broadcast %broadcast_in_dim3A : f32 to vector<16xf32>
        %parallel_loop3A = arith.constant 0 : i32
        %parallel_loop3A_71 = arith.constant 160 : i32
        %parallel_loop3A_72 = arith.constant 1 : i32
        %parallel_loop3A_73:2 = scf.for %parallel_loop3A_239 = %parallel_loop3A to %parallel_loop3A_71 step %parallel_loop3A_72 iter_args(%parallel_loop3A_240 = %broadcast_in_dim3A_70, %parallel_loop3A_241 = %broadcast_in_dim3A_70) -> (vector<16xf32>, vector<16xf32>)  : i32 {
          %parallel_loop3A_242 = arith.constant 16 : i32
          %parallel_loop3A_243 = arith.muli %parallel_loop3A_239, %parallel_loop3A_242 : i32
          %parallel_loop3A_244 = arith.index_cast %scan3A_68 : i32 to index
          %parallel_loop3A_245 = arith.index_cast %parallel_loop3A_243 : i32 to index
          %parallel_loop3A_246 = tpu.vector_load %arg4[%parallel_loop3A_244, %parallel_loop3A_245] {strides = array<i32>} : memref<16x2560xf32, #tpu.memory_space<vmem>>, vector<16xf32>,
          %parallel_loop3A_247 = arith.minimumf %parallel_loop3A_240, %parallel_loop3A_246 : vector<16xf32>
          %parallel_loop3A_248 = arith.maximumf %parallel_loop3A_240, %parallel_loop3A_246 : vector<16xf32>
          %parallel_loop3A_249 = arith.maximumf %parallel_loop3A_241, %parallel_loop3A_247 : vector<16xf32>
          scf.yield %parallel_loop3A_248, %parallel_loop3A_249 : vector<16xf32>, vector<16xf32>
        } {sc.loop_unroll_factor = 8 : i64, sc.parallel_access}
        %sort3A = arith.constant dense<true> : vector<16xi1>
        %sort3A_74, %sort3A_75, %sort3A_76 = tpu.sort %parallel_loop3A_73#0, %parallel_loop3A_73#0 masked %sort3A : (vector<16xf32>, vector<16xf32>, vector<16xi1>) -> (vector<16xi1>, vector<16xf32>, vector<16xf32>)
        %rev3A = arith.constant 15 : i32
        %rev3A_77 = vector.broadcast %rev3A : i32 to vector<16xi32>
        %rev3A_78 = tpu.iota {dimensions = array<i32: 0>} : vector<16xi32>
        %rev3A_79 = arith.subi %rev3A_77, %rev3A_78 : vector<16xi32>
        %rev3A_80 = tpu.dynamic_gather %sort3A_75[%rev3A_79] in [0] : vector<16xf32>, vector<16xi32> -> vector<16xf32>
        %sort3A_81 = arith.constant dense<true> : vector<16xi1>
        %sort3A_82, %sort3A_83, %sort3A_84 = tpu.sort %parallel_loop3A_73#1, %parallel_loop3A_73#1 masked %sort3A_81 : (vector<16xf32>, vector<16xf32>, vector<16xi1>) -> (vector<16xi1>, vector<16xf32>, vector<16xf32>)
        %max3A = arith.maximumf %rev3A_80, %sort3A_83 : vector<16xf32>
        %sort3A_85 = arith.constant dense<true> : vector<16xi1>
        %sort3A_86, %sort3A_87, %sort3A_88 = tpu.sort %max3A, %max3A masked %sort3A_85 : (vector<16xf32>, vector<16xf32>, vector<16xi1>) -> (vector<16xi1>, vector<16xf32>, vector<16xf32>)
        %broadcast_in_dim3A_89 = arith.constant 6 : i32
        %broadcast_in_dim3A_90 = vector.broadcast %broadcast_in_dim3A_89 : i32 to vector<16xi32>
        %lt3A_91 = arith.constant 0 : i32
        %lt3A_92 = vector.broadcast %lt3A_91 : i32 to vector<16xi32>
        %lt3A_93 = arith.cmpi slt, %broadcast_in_dim3A_90, %lt3A_92 : vector<16xi32>
        %add3A_94 = arith.constant 16 : i32
        %add3A_95 = vector.broadcast %add3A_94 : i32 to vector<16xi32>
        %add3A_96 = arith.addi %broadcast_in_dim3A_90, %add3A_95 : vector<16xi32>
        %select_n3A = arith.select %lt3A_93, %add3A_96, %broadcast_in_dim3A_90 : vector<16xi1>, vector<16xi32>
        %broadcast_in_dim3A_97 = vector.shape_cast %select_n3A : vector<16xi32> to vector<16x1xi32>
        %gather3A = vector.shape_cast %broadcast_in_dim3A_97 : vector<16x1xi32> to vector<16xi32>
        %gather3A_98 = tpu.dynamic_gather %sort3A_87[%gather3A] in [0] : vector<16xf32>, vector<16xi32> -> vector<16xf32>
        %broadcast_in_dim3A_99 = arith.constant 0 : i32
        %broadcast_in_dim3A_100 = vector.broadcast %broadcast_in_dim3A_99 : i32 to vector<16xi32>
        %scan3A_101 = arith.constant 0 : i32
        %scan3A_102 = arith.constant 160 : i32
        %scan3A_103 = arith.addi %scan3A_101, %scan3A_102 : i32
        %scan3A_104 = arith.constant 8 : i32
        %scan3A_105:2 = scf.for %scan3A_239 = %scan3A_101 to %scan3A_103 step %scan3A_104 iter_args(%scan3A_240 = %broadcast_in_dim3A_100, %scan3A_241 = %iota3A) -> (vector<16xi32>, vector<16xi32>)  : i32 {
          %mul3A_242 = arith.constant 16 : i32
          %mul3A_243 = arith.muli %scan3A_239, %mul3A_242 : i32
          %get3A = arith.index_cast %scan3A_68 : i32 to index
          %get3A_244 = arith.index_cast %mul3A_243 : i32 to index
          %get3A_245 = tpu.vector_load %arg4[%get3A, %get3A_244] {strides = array<i32>} : memref<16x2560xf32, #tpu.memory_space<vmem>>, vector<16xf32>,
          %ge3A = arith.cmpf oge, %get3A_245, %gather3A_98 : vector<16xf32>
          %all_reduce_population_count3A = tpu.all_reduce %ge3A {dim = 0 : i64, kind = #tpu.reduction_kind<sum>} : vector<16xi1> -> vector<16xi32>
          %add3A_246 = arith.addi %scan3A_240, %iota3A : vector<16xi32>
          tpu.vector_store_idx %arg6[%add3A_246], %get3A_245 : memref<2576xf32, #tpu.memory_space<vmem>>[vector<16xi32>], vector<16xf32>,
          tpu.vector_store_idx %arg7[%add3A_246], %scan3A_241 : memref<2576xi32, #tpu.memory_space<vmem>>[vector<16xi32>], vector<16xi32>,
          %min3A = arith.constant 1 : i32
          %min3A_247 = vector.broadcast %min3A : i32 to vector<16xi32>
          %min3A_248 = arith.minsi %all_reduce_population_count3A, %min3A_247 : vector<16xi32>
          %mul3A_249 = arith.constant 16 : i32
          %mul3A_250 = vector.broadcast %mul3A_249 : i32 to vector<16xi32>
          %mul3A_251 = arith.muli %min3A_248, %mul3A_250 : vector<16xi32>
          %add3A_252 = arith.addi %scan3A_240, %mul3A_251 : vector<16xi32>
          %add3A_253 = arith.constant 16 : i32
          %add3A_254 = vector.broadcast %add3A_253 : i32 to vector<16xi32>
          %add3A_255 = arith.addi %scan3A_241, %add3A_254 : vector<16xi32>
          %scan3A_256 = arith.constant 1 : i32
          %scan3A_257 = arith.addi %scan3A_239, %scan3A_256 : i32
          %mul3A_258 = arith.constant 16 : i32
          %mul3A_259 = arith.muli %scan3A_257, %mul3A_258 : i32
          %get3A_260 = arith.index_cast %scan3A_68 : i32 to index
          %get3A_261 = arith.index_cast %mul3A_259 : i32 to index
          %get3A_262 = tpu.vector_load %arg4[%get3A_260, %get3A_261] {strides = array<i32>} : memref<16x2560xf32, #tpu.memory_space<vmem>>, vector<16xf32>,
          %ge3A_263 = arith.cmpf oge, %get3A_262, %gather3A_98 : vector<16xf32>
          %all_reduce_population_count3A_264 = tpu.all_reduce %ge3A_263 {dim = 0 : i64, kind = #tpu.reduction_kind<sum>} : vector<16xi1> -> vector<16xi32>
          %add3A_265 = arith.addi %add3A_252, %iota3A : vector<16xi32>
          tpu.vector_store_idx %arg6[%add3A_265], %get3A_262 : memref<2576xf32, #tpu.memory_space<vmem>>[vector<16xi32>], vector<16xf32>,
          tpu.vector_store_idx %arg7[%add3A_265], %add3A_255 : memref<2576xi32, #tpu.memory_space<vmem>>[vector<16xi32>], vector<16xi32>,
          %min3A_266 = arith.constant 1 : i32
          %min3A_267 = vector.broadcast %min3A_266 : i32 to vector<16xi32>
          %min3A_268 = arith.minsi %all_reduce_population_count3A_264, %min3A_267 : vector<16xi32>
          %mul3A_269 = arith.constant 16 : i32
          %mul3A_270 = vector.broadcast %mul3A_269 : i32 to vector<16xi32>
          %mul3A_271 = arith.muli %min3A_268, %mul3A_270 : vector<16xi32>
          %add3A_272 = arith.addi %add3A_252, %mul3A_271 : vector<16xi32>
          %add3A_273 = arith.constant 16 : i32
          %add3A_274 = vector.broadcast %add3A_273 : i32 to vector<16xi32>
          %add3A_275 = arith.addi %add3A_255, %add3A_274 : vector<16xi32>
          %scan3A_276 = arith.constant 2 : i32
          %scan3A_277 = arith.addi %scan3A_239, %scan3A_276 : i32
          %mul3A_278 = arith.constant 16 : i32
          %mul3A_279 = arith.muli %scan3A_277, %mul3A_278 : i32
          %get3A_280 = arith.index_cast %scan3A_68 : i32 to index
          %get3A_281 = arith.index_cast %mul3A_279 : i32 to index
          %get3A_282 = tpu.vector_load %arg4[%get3A_280, %get3A_281] {strides = array<i32>} : memref<16x2560xf32, #tpu.memory_space<vmem>>, vector<16xf32>,
          %ge3A_283 = arith.cmpf oge, %get3A_282, %gather3A_98 : vector<16xf32>
          %all_reduce_population_count3A_284 = tpu.all_reduce %ge3A_283 {dim = 0 : i64, kind = #tpu.reduction_kind<sum>} : vector<16xi1> -> vector<16xi32>
          %add3A_285 = arith.addi %add3A_272, %iota3A : vector<16xi32>
          tpu.vector_store_idx %arg6[%add3A_285], %get3A_282 : memref<2576xf32, #tpu.memory_space<vmem>>[vector<16xi32>], vector<16xf32>,
          tpu.vector_store_idx %arg7[%add3A_285], %add3A_275 : memref<2576xi32, #tpu.memory_space<vmem>>[vector<16xi32>], vector<16xi32>,
          %min3A_286 = arith.constant 1 : i32
          %min3A_287 = vector.broadcast %min3A_286 : i32 to vector<16xi32>
          %min3A_288 = arith.minsi %all_reduce_population_count3A_284, %min3A_287 : vector<16xi32>
          %mul3A_289 = arith.constant 16 : i32
          %mul3A_290 = vector.broadcast %mul3A_289 : i32 to vector<16xi32>
          %mul3A_291 = arith.muli %min3A_288, %mul3A_290 : vector<16xi32>
          %add3A_292 = arith.addi %add3A_272, %mul3A_291 : vector<16xi32>
          %add3A_293 = arith.constant 16 : i32
          %add3A_294 = vector.broadcast %add3A_293 : i32 to vector<16xi32>
          %add3A_295 = arith.addi %add3A_275, %add3A_294 : vector<16xi32>
          %scan3A_296 = arith.constant 3 : i32
          %scan3A_297 = arith.addi %scan3A_239, %scan3A_296 : i32
          %mul3A_298 = arith.constant 16 : i32
          %mul3A_299 = arith.muli %scan3A_297, %mul3A_298 : i32
          %get3A_300 = arith.index_cast %scan3A_68 : i32 to index
          %get3A_301 = arith.index_cast %mul3A_299 : i32 to index
          %get3A_302 = tpu.vector_load %arg4[%get3A_300, %get3A_301] {strides = array<i32>} : memref<16x2560xf32, #tpu.memory_space<vmem>>, vector<16xf32>,
          %ge3A_303 = arith.cmpf oge, %get3A_302, %gather3A_98 : vector<16xf32>
          %all_reduce_population_count3A_304 = tpu.all_reduce %ge3A_303 {dim = 0 : i64, kind = #tpu.reduction_kind<sum>} : vector<16xi1> -> vector<16xi32>
          %add3A_305 = arith.addi %add3A_292, %iota3A : vector<16xi32>
          tpu.vector_store_idx %arg6[%add3A_305], %get3A_302 : memref<2576xf32, #tpu.memory_space<vmem>>[vector<16xi32>], vector<16xf32>,
          tpu.vector_store_idx %arg7[%add3A_305], %add3A_295 : memref<2576xi32, #tpu.memory_space<vmem>>[vector<16xi32>], vector<16xi32>,
          %min3A_306 = arith.constant 1 : i32
          %min3A_307 = vector.broadcast %min3A_306 : i32 to vector<16xi32>
          %min3A_308 = arith.minsi %all_reduce_population_count3A_304, %min3A_307 : vector<16xi32>
          %mul3A_309 = arith.constant 16 : i32
          %mul3A_310 = vector.broadcast %mul3A_309 : i32 to vector<16xi32>
          %mul3A_311 = arith.muli %min3A_308, %mul3A_310 : vector<16xi32>
          %add3A_312 = arith.addi %add3A_292, %mul3A_311 : vector<16xi32>
          %add3A_313 = arith.constant 16 : i32
          %add3A_314 = vector.broadcast %add3A_313 : i32 to vector<16xi32>
          %add3A_315 = arith.addi %add3A_295, %add3A_314 : vector<16xi32>
          %scan3A_316 = arith.constant 4 : i32
          %scan3A_317 = arith.addi %scan3A_239, %scan3A_316 : i32
          %mul3A_318 = arith.constant 16 : i32
          %mul3A_319 = arith.muli %scan3A_317, %mul3A_318 : i32
          %get3A_320 = arith.index_cast %scan3A_68 : i32 to index
          %get3A_321 = arith.index_cast %mul3A_319 : i32 to index
          %get3A_322 = tpu.vector_load %arg4[%get3A_320, %get3A_321] {strides = array<i32>} : memref<16x2560xf32, #tpu.memory_space<vmem>>, vector<16xf32>,
          %ge3A_323 = arith.cmpf oge, %get3A_322, %gather3A_98 : vector<16xf32>
          %all_reduce_population_count3A_324 = tpu.all_reduce %ge3A_323 {dim = 0 : i64, kind = #tpu.reduction_kind<sum>} : vector<16xi1> -> vector<16xi32>
          %add3A_325 = arith.addi %add3A_312, %iota3A : vector<16xi32>
          tpu.vector_store_idx %arg6[%add3A_325], %get3A_322 : memref<2576xf32, #tpu.memory_space<vmem>>[vector<16xi32>], vector<16xf32>,
          tpu.vector_store_idx %arg7[%add3A_325], %add3A_315 : memref<2576xi32, #tpu.memory_space<vmem>>[vector<16xi32>], vector<16xi32>,
          %min3A_326 = arith.constant 1 : i32
          %min3A_327 = vector.broadcast %min3A_326 : i32 to vector<16xi32>
          %min3A_328 = arith.minsi %all_reduce_population_count3A_324, %min3A_327 : vector<16xi32>
          %mul3A_329 = arith.constant 16 : i32
          %mul3A_330 = vector.broadcast %mul3A_329 : i32 to vector<16xi32>
          %mul3A_331 = arith.muli %min3A_328, %mul3A_330 : vector<16xi32>
          %add3A_332 = arith.addi %add3A_312, %mul3A_331 : vector<16xi32>
          %add3A_333 = arith.constant 16 : i32
          %add3A_334 = vector.broadcast %add3A_333 : i32 to vector<16xi32>
          %add3A_335 = arith.addi %add3A_315, %add3A_334 : vector<16xi32>
          %scan3A_336 = arith.constant 5 : i32
          %scan3A_337 = arith.addi %scan3A_239, %scan3A_336 : i32
          %mul3A_338 = arith.constant 16 : i32
          %mul3A_339 = arith.muli %scan3A_337, %mul3A_338 : i32
          %get3A_340 = arith.index_cast %scan3A_68 : i32 to index
          %get3A_341 = arith.index_cast %mul3A_339 : i32 to index
          %get3A_342 = tpu.vector_load %arg4[%get3A_340, %get3A_341] {strides = array<i32>} : memref<16x2560xf32, #tpu.memory_space<vmem>>, vector<16xf32>,
          %ge3A_343 = arith.cmpf oge, %get3A_342, %gather3A_98 : vector<16xf32>
          %all_reduce_population_count3A_344 = tpu.all_reduce %ge3A_343 {dim = 0 : i64, kind = #tpu.reduction_kind<sum>} : vector<16xi1> -> vector<16xi32>
          %add3A_345 = arith.addi %add3A_332, %iota3A : vector<16xi32>
          tpu.vector_store_idx %arg6[%add3A_345], %get3A_342 : memref<2576xf32, #tpu.memory_space<vmem>>[vector<16xi32>], vector<16xf32>,
          tpu.vector_store_idx %arg7[%add3A_345], %add3A_335 : memref<2576xi32, #tpu.memory_space<vmem>>[vector<16xi32>], vector<16xi32>,
          %min3A_346 = arith.constant 1 : i32
          %min3A_347 = vector.broadcast %min3A_346 : i32 to vector<16xi32>
          %min3A_348 = arith.minsi %all_reduce_population_count3A_344, %min3A_347 : vector<16xi32>
          %mul3A_349 = arith.constant 16 : i32
          %mul3A_350 = vector.broadcast %mul3A_349 : i32 to vector<16xi32>
          %mul3A_351 = arith.muli %min3A_348, %mul3A_350 : vector<16xi32>
          %add3A_352 = arith.addi %add3A_332, %mul3A_351 : vector<16xi32>
          %add3A_353 = arith.constant 16 : i32
          %add3A_354 = vector.broadcast %add3A_353 : i32 to vector<16xi32>
          %add3A_355 = arith.addi %add3A_335, %add3A_354 : vector<16xi32>
          %scan3A_356 = arith.constant 6 : i32
          %scan3A_357 = arith.addi %scan3A_239, %scan3A_356 : i32
          %mul3A_358 = arith.constant 16 : i32
          %mul3A_359 = arith.muli %scan3A_357, %mul3A_358 : i32
          %get3A_360 = arith.index_cast %scan3A_68 : i32 to index
          %get3A_361 = arith.index_cast %mul3A_359 : i32 to index
          %get3A_362 = tpu.vector_load %arg4[%get3A_360, %get3A_361] {strides = array<i32>} : memref<16x2560xf32, #tpu.memory_space<vmem>>, vector<16xf32>,
          %ge3A_363 = arith.cmpf oge, %get3A_362, %gather3A_98 : vector<16xf32>
          %all_reduce_population_count3A_364 = tpu.all_reduce %ge3A_363 {dim = 0 : i64, kind = #tpu.reduction_kind<sum>} : vector<16xi1> -> vector<16xi32>
          %add3A_365 = arith.addi %add3A_352, %iota3A : vector<16xi32>
          tpu.vector_store_idx %arg6[%add3A_365], %get3A_362 : memref<2576xf32, #tpu.memory_space<vmem>>[vector<16xi32>], vector<16xf32>,
          tpu.vector_store_idx %arg7[%add3A_365], %add3A_355 : memref<2576xi32, #tpu.memory_space<vmem>>[vector<16xi32>], vector<16xi32>,
          %min3A_366 = arith.constant 1 : i32
          %min3A_367 = vector.broadcast %min3A_366 : i32 to vector<16xi32>
          %min3A_368 = arith.minsi %all_reduce_population_count3A_364, %min3A_367 : vector<16xi32>
          %mul3A_369 = arith.constant 16 : i32
          %mul3A_370 = vector.broadcast %mul3A_369 : i32 to vector<16xi32>
          %mul3A_371 = arith.muli %min3A_368, %mul3A_370 : vector<16xi32>
          %add3A_372 = arith.addi %add3A_352, %mul3A_371 : vector<16xi32>
          %add3A_373 = arith.constant 16 : i32
          %add3A_374 = vector.broadcast %add3A_373 : i32 to vector<16xi32>
          %add3A_375 = arith.addi %add3A_355, %add3A_374 : vector<16xi32>
          %scan3A_376 = arith.constant 7 : i32
          %scan3A_377 = arith.addi %scan3A_239, %scan3A_376 : i32
          %mul3A_378 = arith.constant 16 : i32
          %mul3A_379 = arith.muli %scan3A_377, %mul3A_378 : i32
          %get3A_380 = arith.index_cast %scan3A_68 : i32 to index
          %get3A_381 = arith.index_cast %mul3A_379 : i32 to index
          %get3A_382 = tpu.vector_load %arg4[%get3A_380, %get3A_381] {strides = array<i32>} : memref<16x2560xf32, #tpu.memory_space<vmem>>, vector<16xf32>,
          %ge3A_383 = arith.cmpf oge, %get3A_382, %gather3A_98 : vector<16xf32>
          %all_reduce_population_count3A_384 = tpu.all_reduce %ge3A_383 {dim = 0 : i64, kind = #tpu.reduction_kind<sum>} : vector<16xi1> -> vector<16xi32>
          %add3A_385 = arith.addi %add3A_372, %iota3A : vector<16xi32>
          tpu.vector_store_idx %arg6[%add3A_385], %get3A_382 : memref<2576xf32, #tpu.memory_space<vmem>>[vector<16xi32>], vector<16xf32>,
          tpu.vector_store_idx %arg7[%add3A_385], %add3A_375 : memref<2576xi32, #tpu.memory_space<vmem>>[vector<16xi32>], vector<16xi32>,
          %min3A_386 = arith.constant 1 : i32
          %min3A_387 = vector.broadcast %min3A_386 : i32 to vector<16xi32>
          %min3A_388 = arith.minsi %all_reduce_population_count3A_384, %min3A_387 : vector<16xi32>
          %mul3A_389 = arith.constant 16 : i32
          %mul3A_390 = vector.broadcast %mul3A_389 : i32 to vector<16xi32>
          %mul3A_391 = arith.muli %min3A_388, %mul3A_390 : vector<16xi32>
          %add3A_392 = arith.addi %add3A_372, %mul3A_391 : vector<16xi32>
          %add3A_393 = arith.constant 16 : i32
          %add3A_394 = vector.broadcast %add3A_393 : i32 to vector<16xi32>
          %add3A_395 = arith.addi %add3A_375, %add3A_394 : vector<16xi32>
          scf.yield %add3A_392, %add3A_395 : vector<16xi32>, vector<16xi32>
        }
        %scan3A_106 = arith.constant 160 : i32
        %convert_element_type3A_107 = arith.sitofp %scan3A_105#0 : vector<16xi32> to vector<16xf32>
        %reduce_max3A = arith.constant true
        %reduce_max3A_108 = vector.broadcast %reduce_max3A : i1 to vector<16xi1>
        %reduce_max3A_109 = tpu.scan <max>, %convert_element_type3A_107 masked %reduce_max3A_108 : vector<16xf32>, vector<16xi1> -> vector<16xf32>
        %reduce_max3A_110 = vector.extract %reduce_max3A_109[15] : f32 from vector<16xf32>
        %mul3A_111 = arith.constant 6.250000e-02 : f32
        %mul3A_112 = arith.mulf %reduce_max3A_110, %mul3A_111 : f32
        %convert_element_type3A_113 = arith.fptosi %mul3A_112 : f32 to i32
        %while3A = arith.constant 0 : i32
        %while3A_114 = arith.constant 0 : i32
        %while3A_115 = arith.subi %convert_element_type3A_113, %while3A : i32
        %while3A_116 = arith.addi %while3A, %while3A_115 : i32
        %while3A_117 = arith.constant 1 : i32
        %while3A_118 = arith.divsi %while3A_115, %while3A_117 : i32
        %while3A_119 = arith.muli %while3A_118, %while3A_117 : i32
        %while3A_120 = arith.addi %while3A, %while3A_119 : i32
        %while3A_121 = arith.constant 1 : i32
        %while3A_122 = scf.for %while3A_239 = %while3A to %while3A_120 step %while3A_121 iter_args(%while3A_240 = %while3A_114) -> (i32)  : i32 {
          %mul3A_241 = arith.constant 16 : i32
          %mul3A_242 = arith.muli %while3A_239, %mul3A_241 : i32
          %get3A = arith.index_cast %mul3A_242 : i32 to index
          %get3A_243 = tpu.vector_load %arg6[%get3A] {strides = array<i32>} : memref<2576xf32, #tpu.memory_space<vmem>>, vector<16xf32>,
          %mul3A_244 = arith.constant 16 : i32
          %mul3A_245 = arith.muli %while3A_239, %mul3A_244 : i32
          %get3A_246 = arith.index_cast %mul3A_245 : i32 to index
          %get3A_247 = tpu.vector_load %arg7[%get3A_246] {strides = array<i32>} : memref<2576xi32, #tpu.memory_space<vmem>>, vector<16xi32>,
          %ge3A = arith.cmpf oge, %get3A_243, %gather3A_98 : vector<16xf32>
          %swap3A_248 = arith.index_cast %while3A_240 : i32 to index
          %swap3A_249 = tpu.vector_load %arg8[%swap3A_248] masked %ge3A {strides = array<i32>} : memref<2576xf32, #tpu.memory_space<vmem>>, vector<16xf32>, vector<16xi1>
          tpu.vector_store %arg8[%swap3A_248], %get3A_243 masked %ge3A {strides = array<i32>} : memref<2576xf32, #tpu.memory_space<vmem>>, vector<16xf32>, vector<16xi1>
          %swap3A_250 = arith.index_cast %while3A_240 : i32 to index
          %swap3A_251 = tpu.vector_load %arg9[%swap3A_250] masked %ge3A {strides = array<i32>} : memref<2576xi32, #tpu.memory_space<vmem>>, vector<16xi32>, vector<16xi1>
          tpu.vector_store %arg9[%swap3A_250], %get3A_247 masked %ge3A {strides = array<i32>} : memref<2576xi32, #tpu.memory_space<vmem>>, vector<16xi32>, vector<16xi1>
          %convert_element_type3A_252 = arith.extui %ge3A : vector<16xi1> to vector<16xi32>
          %reduce_sum3A_253 = arith.constant true
          %reduce_sum3A_254 = vector.broadcast %reduce_sum3A_253 : i1 to vector<16xi1>
          %reduce_sum3A_255 = tpu.scan <sum>, %convert_element_type3A_252 masked %reduce_sum3A_254 : vector<16xi32>, vector<16xi1> -> vector<16xi32>
          %reduce_sum3A_256 = vector.extract %reduce_sum3A_255[15] : i32 from vector<16xi32>
          %add3A_257 = arith.addi %while3A_240, %reduce_sum3A_256 : i32
          scf.yield %add3A_257 : i32
        }
        %while3A_123 = arith.constant 1 : i32
        %while3A_124 = scf.for %while3A_239 = %while3A_120 to %while3A_116 step %while3A_123 iter_args(%while3A_240 = %while3A_122) -> (i32)  : i32 {
          %mul3A_241 = arith.constant 16 : i32
          %mul3A_242 = arith.muli %while3A_239, %mul3A_241 : i32
          %get3A = arith.index_cast %mul3A_242 : i32 to index
          %get3A_243 = tpu.vector_load %arg6[%get3A] {strides = array<i32>} : memref<2576xf32, #tpu.memory_space<vmem>>, vector<16xf32>,
          %mul3A_244 = arith.constant 16 : i32
          %mul3A_245 = arith.muli %while3A_239, %mul3A_244 : i32
          %get3A_246 = arith.index_cast %mul3A_245 : i32 to index
          %get3A_247 = tpu.vector_load %arg7[%get3A_246] {strides = array<i32>} : memref<2576xi32, #tpu.memory_space<vmem>>, vector<16xi32>,
          %ge3A = arith.cmpf oge, %get3A_243, %gather3A_98 : vector<16xf32>
          %swap3A_248 = arith.index_cast %while3A_240 : i32 to index
          %swap3A_249 = tpu.vector_load %arg8[%swap3A_248] masked %ge3A {strides = array<i32>} : memref<2576xf32, #tpu.memory_space<vmem>>, vector<16xf32>, vector<16xi1>
          tpu.vector_store %arg8[%swap3A_248], %get3A_243 masked %ge3A {strides = array<i32>} : memref<2576xf32, #tpu.memory_space<vmem>>, vector<16xf32>, vector<16xi1>
          %swap3A_250 = arith.index_cast %while3A_240 : i32 to index
          %swap3A_251 = tpu.vector_load %arg9[%swap3A_250] masked %ge3A {strides = array<i32>} : memref<2576xi32, #tpu.memory_space<vmem>>, vector<16xi32>, vector<16xi1>
          tpu.vector_store %arg9[%swap3A_250], %get3A_247 masked %ge3A {strides = array<i32>} : memref<2576xi32, #tpu.memory_space<vmem>>, vector<16xi32>, vector<16xi1>
          %convert_element_type3A_252 = arith.extui %ge3A : vector<16xi1> to vector<16xi32>
          %reduce_sum3A_253 = arith.constant true
          %reduce_sum3A_254 = vector.broadcast %reduce_sum3A_253 : i1 to vector<16xi1>
          %reduce_sum3A_255 = tpu.scan <sum>, %convert_element_type3A_252 masked %reduce_sum3A_254 : vector<16xi32>, vector<16xi1> -> vector<16xi32>
          %reduce_sum3A_256 = vector.extract %reduce_sum3A_255[15] : i32 from vector<16xi32>
          %add3A_257 = arith.addi %while3A_240, %reduce_sum3A_256 : i32
          scf.yield %add3A_257 : i32
        }
        %swap3A = arith.index_cast %while3A_124 : i32 to index
        %swap3A_125 = tpu.vector_load %arg8[%swap3A] {strides = array<i32>} : memref<2576xf32, #tpu.memory_space<vmem>>, vector<16xf32>,
        tpu.vector_store %arg8[%swap3A], %broadcast_in_dim3A_70 {strides = array<i32>} : memref<2576xf32, #tpu.memory_space<vmem>>, vector<16xf32>,
        %broadcast_in_dim3A_126 = arith.constant 0 : i32
        %broadcast_in_dim3A_127 = vector.broadcast %broadcast_in_dim3A_126 : i32 to vector<16xi32>
        %swap3A_128 = arith.index_cast %while3A_124 : i32 to index
        %swap3A_129 = tpu.vector_load %arg9[%swap3A_128] {strides = array<i32>} : memref<2576xi32, #tpu.memory_space<vmem>>, vector<16xi32>,
        tpu.vector_store %arg9[%swap3A_128], %broadcast_in_dim3A_127 {strides = array<i32>} : memref<2576xi32, #tpu.memory_space<vmem>>, vector<16xi32>,
        %add3A_130 = arith.constant 15 : i32
        %add3A_131 = arith.addi %while3A_124, %add3A_130 : i32
        %jit3A = arith.constant 16 : i32
        %div3A = arith.divsi %add3A_131, %jit3A : i32
        %sign3A = arith.constant 0 : i32
        %sign3A_132 = arith.cmpi sgt, %add3A_131, %sign3A : i32
        %sign3A_133 = arith.extui %sign3A_132 : i1 to i32
        %sign3A_134 = arith.constant 0 : i32
        %sign3A_135 = arith.cmpi slt, %add3A_131, %sign3A_134 : i32
        %sign3A_136 = arith.extui %sign3A_135 : i1 to i32
        %sign3A_137 = arith.subi %sign3A_133, %sign3A_136 : i32
        %sign3A_138 = arith.constant 0 : i32
        %sign3A_139 = arith.cmpi sgt, %jit3A, %sign3A_138 : i32
        %sign3A_140 = arith.extui %sign3A_139 : i1 to i32
        %sign3A_141 = arith.constant 0 : i32
        %sign3A_142 = arith.cmpi slt, %jit3A, %sign3A_141 : i32
        %sign3A_143 = arith.extui %sign3A_142 : i1 to i32
        %sign3A_144 = arith.subi %sign3A_140, %sign3A_143 : i32
        %ne3A = arith.cmpi ne, %sign3A_137, %sign3A_144 : i32
        %rem3A = arith.remsi %add3A_131, %jit3A : i32
        %ne3A_145 = arith.constant 0 : i32
        %ne3A_146 = arith.cmpi ne, %rem3A, %ne3A_145 : i32
        %and3A = arith.andi %ne3A, %ne3A_146 : i1
        %sub3A = arith.constant 1 : i32
        %sub3A_147 = arith.subi %div3A, %sub3A : i32
        %select_n3A_148 = arith.select %and3A, %sub3A_147, %div3A : i32
        %broadcast_in_dim3A_149 = arith.constant 0xFF800000 : f32
        %broadcast_in_dim3A_150 = vector.broadcast %broadcast_in_dim3A_149 : f32 to vector<16xf32>
        %broadcast_in_dim3A_151 = arith.constant 0 : i32
        %broadcast_in_dim3A_152 = vector.broadcast %broadcast_in_dim3A_151 : i32 to vector<16xi32>
        %while3A_153 = arith.constant 0 : i32
        %while3A_154 = arith.subi %select_n3A_148, %while3A_153 : i32
        %while3A_155 = arith.addi %while3A_153, %while3A_154 : i32
        %while3A_156 = arith.constant 1 : i32
        %while3A_157 = arith.divsi %while3A_154, %while3A_156 : i32
        %while3A_158 = arith.muli %while3A_157, %while3A_156 : i32
        %while3A_159 = arith.addi %while3A_153, %while3A_158 : i32
        %while3A_160 = arith.constant 1 : i32
        %while3A_161:2 = scf.for %while3A_239 = %while3A_153 to %while3A_159 step %while3A_160 iter_args(%while3A_240 = %broadcast_in_dim3A_150, %while3A_241 = %broadcast_in_dim3A_152) -> (vector<16xf32>, vector<16xi32>)  : i32 {
          %mul3A_242 = arith.constant 16 : i32
          %mul3A_243 = arith.muli %while3A_239, %mul3A_242 : i32
          %get3A = arith.index_cast %mul3A_243 : i32 to index
          %get3A_244 = tpu.vector_load %arg8[%get3A] {strides = array<i32>} : memref<2576xf32, #tpu.memory_space<vmem>>, vector<16xf32>,
          %mul3A_245 = arith.constant 16 : i32
          %mul3A_246 = arith.muli %while3A_239, %mul3A_245 : i32
          %get3A_247 = arith.index_cast %mul3A_246 : i32 to index
          %get3A_248 = tpu.vector_load %arg9[%get3A_247] {strides = array<i32>} : memref<2576xi32, #tpu.memory_space<vmem>>, vector<16xi32>,
          %masked_sort3A = arith.constant dense<true> : vector<16xi1>
          %masked_sort3A_249, %masked_sort3A_250, %masked_sort3A_251 = tpu.sort %get3A_244, %get3A_248 masked %masked_sort3A : (vector<16xf32>, vector<16xi32>, vector<16xi1>) -> (vector<16xi1>, vector<16xf32>, vector<16xi32>)
          %gt3A = arith.cmpf ogt, %masked_sort3A_250, %while3A_240 : vector<16xf32>
          %select_n3A_252 = arith.select %gt3A, %masked_sort3A_250, %while3A_240 : vector<16xi1>, vector<16xf32>
          %select_n3A_253 = arith.select %gt3A, %masked_sort3A_251, %while3A_241 : vector<16xi1>, vector<16xi32>
          %masked_sort3A_254 = arith.constant dense<true> : vector<16xi1>
          %masked_sort3A_255, %masked_sort3A_256, %masked_sort3A_257 = tpu.sort %select_n3A_252, %select_n3A_253 masked %masked_sort3A_254 {descending = true} : (vector<16xf32>, vector<16xi32>, vector<16xi1>) -> (vector<16xi1>, vector<16xf32>, vector<16xi32>)
          scf.yield %masked_sort3A_256, %masked_sort3A_257 : vector<16xf32>, vector<16xi32>
        }
        %while3A_162 = arith.constant 1 : i32
        %while3A_163:2 = scf.for %while3A_239 = %while3A_159 to %while3A_155 step %while3A_162 iter_args(%while3A_240 = %while3A_161#0, %while3A_241 = %while3A_161#1) -> (vector<16xf32>, vector<16xi32>)  : i32 {
          %mul3A_242 = arith.constant 16 : i32
          %mul3A_243 = arith.muli %while3A_239, %mul3A_242 : i32
          %get3A = arith.index_cast %mul3A_243 : i32 to index
          %get3A_244 = tpu.vector_load %arg8[%get3A] {strides = array<i32>} : memref<2576xf32, #tpu.memory_space<vmem>>, vector<16xf32>,
          %mul3A_245 = arith.constant 16 : i32
          %mul3A_246 = arith.muli %while3A_239, %mul3A_245 : i32
          %get3A_247 = arith.index_cast %mul3A_246 : i32 to index
          %get3A_248 = tpu.vector_load %arg9[%get3A_247] {strides = array<i32>} : memref<2576xi32, #tpu.memory_space<vmem>>, vector<16xi32>,
          %masked_sort3A = arith.constant dense<true> : vector<16xi1>
          %masked_sort3A_249, %masked_sort3A_250, %masked_sort3A_251 = tpu.sort %get3A_244, %get3A_248 masked %masked_sort3A : (vector<16xf32>, vector<16xi32>, vector<16xi1>) -> (vector<16xi1>, vector<16xf32>, vector<16xi32>)
          %gt3A = arith.cmpf ogt, %masked_sort3A_250, %while3A_240 : vector<16xf32>
          %select_n3A_252 = arith.select %gt3A, %masked_sort3A_250, %while3A_240 : vector<16xi1>, vector<16xf32>
          %select_n3A_253 = arith.select %gt3A, %masked_sort3A_251, %while3A_241 : vector<16xi1>, vector<16xi32>
          %masked_sort3A_254 = arith.constant dense<true> : vector<16xi1>
          %masked_sort3A_255, %masked_sort3A_256, %masked_sort3A_257 = tpu.sort %select_n3A_252, %select_n3A_253 masked %masked_sort3A_254 {descending = true} : (vector<16xf32>, vector<16xi32>, vector<16xi1>) -> (vector<16xi1>, vector<16xf32>, vector<16xi32>)
          scf.yield %masked_sort3A_256, %masked_sort3A_257 : vector<16xf32>, vector<16xi32>
        }
        %lt3A_164 = arith.constant 10 : i32
        %lt3A_165 = vector.broadcast %lt3A_164 : i32 to vector<16xi32>
        %lt3A_166 = arith.cmpi slt, %iota3A, %lt3A_165 : vector<16xi32>
        %convert_element_type3A_167 = arith.sitofp %while3A_163#1 : vector<16xi32> to vector<16xf32>
        %jit3A_168 = arith.constant 0.000000e+00 : f32
        %broadcast_in_dim3A_169 = vector.broadcast %jit3A_168 : f32 to vector<16xf32>
        %select_n3A_170 = arith.select %lt3A_166, %convert_element_type3A_167, %broadcast_in_dim3A_169 : vector<16xi1>, vector<16xf32>
        %reduce_sum3A = arith.constant true
        %reduce_sum3A_171 = vector.broadcast %reduce_sum3A : i1 to vector<16xi1>
        %reduce_sum3A_172 = tpu.scan <sum>, %select_n3A_170 masked %reduce_sum3A_171 : vector<16xf32>, vector<16xi1> -> vector<16xf32>
        %reduce_sum3A_173 = vector.extract %reduce_sum3A_172[15] : f32 from vector<16xf32>
        %mul3A_174 = arith.constant 1.000000e-01 : f32
        %mul3A_175 = arith.mulf %reduce_sum3A_173, %mul3A_174 : f32
        %broadcast_in_dim3A_176 = arith.constant 0 : i32
        %broadcast_in_dim3A_177 = vector.broadcast %broadcast_in_dim3A_176 : i32 to vector<16xi32>
        %lt3A_178 = arith.constant 0 : i32
        %lt3A_179 = vector.broadcast %lt3A_178 : i32 to vector<16xi32>
        %lt3A_180 = arith.cmpi slt, %broadcast_in_dim3A_177, %lt3A_179 : vector<16xi32>
        %add3A_181 = arith.constant 16 : i32
        %add3A_182 = vector.broadcast %add3A_181 : i32 to vector<16xi32>
        %add3A_183 = arith.addi %broadcast_in_dim3A_177, %add3A_182 : vector<16xi32>
        %select_n3A_184 = arith.select %lt3A_180, %add3A_183, %broadcast_in_dim3A_177 : vector<16xi1>, vector<16xi32>
        %broadcast_in_dim3A_185 = vector.shape_cast %select_n3A_184 : vector<16xi32> to vector<16x1xi32>
        %gather3A_186 = vector.shape_cast %broadcast_in_dim3A_185 : vector<16x1xi32> to vector<16xi32>
        %gather3A_187 = tpu.dynamic_gather %convert_element_type3A_167[%gather3A_186] in [0] : vector<16xf32>, vector<16xi32> -> vector<16xf32>
        %mul3A_188 = arith.mulf %while3A_163#0, %while3A_163#0 : vector<16xf32>
        %jit3A_189 = arith.constant 0.000000e+00 : f32
        %broadcast_in_dim3A_190 = vector.broadcast %jit3A_189 : f32 to vector<16xf32>
        %select_n3A_191 = arith.select %lt3A_166, %mul3A_188, %broadcast_in_dim3A_190 : vector<16xi1>, vector<16xf32>
        %reduce_sum3A_192 = arith.constant true
        %reduce_sum3A_193 = vector.broadcast %reduce_sum3A_192 : i1 to vector<16xi1>
        %reduce_sum3A_194 = tpu.scan <sum>, %select_n3A_191 masked %reduce_sum3A_193 : vector<16xf32>, vector<16xi1> -> vector<16xf32>
        %reduce_sum3A_195 = vector.extract %reduce_sum3A_194[15] : f32 from vector<16xf32>
        %mul3A_196 = arith.constant 1.000000e-01 : f32
        %mul3A_197 = arith.mulf %reduce_sum3A_195, %mul3A_196 : f32
        %max3A_198 = arith.constant 1.000000e-30 : f32
        %max3A_199 = arith.maximumf %mul3A_197, %max3A_198 : f32
        %bitcast_convert_type3A = arith.bitcast %max3A_199 : f32 to i32
        %shift_right_arithmetic3A = arith.constant 1 : i32
        %shift_right_arithmetic3A_200 = arith.shrsi %bitcast_convert_type3A, %shift_right_arithmetic3A : i32
        %sub3A_201 = arith.constant 1597463007 : i32
        %sub3A_202 = arith.subi %sub3A_201, %shift_right_arithmetic3A_200 : i32
        %bitcast_convert_type3A_203 = arith.bitcast %sub3A_202 : i32 to f32
        %mul3A_204 = arith.constant 5.000000e-01 : f32
        %mul3A_205 = arith.mulf %mul3A_204, %max3A_199 : f32
        %mul3A_206 = arith.mulf %mul3A_205, %bitcast_convert_type3A_203 : f32
        %mul3A_207 = arith.mulf %mul3A_206, %bitcast_convert_type3A_203 : f32
        %sub3A_208 = arith.constant 1.500000e+00 : f32
        %sub3A_209 = arith.subf %sub3A_208, %mul3A_207 : f32
        %mul3A_210 = arith.mulf %bitcast_convert_type3A_203, %sub3A_209 : f32
        %mul3A_211 = arith.mulf %mul3A_205, %mul3A_210 : f32
        %mul3A_212 = arith.mulf %mul3A_211, %mul3A_210 : f32
        %sub3A_213 = arith.constant 1.500000e+00 : f32
        %sub3A_214 = arith.subf %sub3A_213, %mul3A_212 : f32
        %mul3A_215 = arith.mulf %mul3A_210, %sub3A_214 : f32
        %mul3A_216 = arith.mulf %mul3A_205, %mul3A_215 : f32
        %mul3A_217 = arith.mulf %mul3A_216, %mul3A_215 : f32
        %sub3A_218 = arith.constant 1.500000e+00 : f32
        %sub3A_219 = arith.subf %sub3A_218, %mul3A_217 : f32
        %mul3A_220 = arith.mulf %mul3A_215, %sub3A_219 : f32
        %mul3A_221 = arith.mulf %max3A_199, %mul3A_220 : f32
        %mul3A_222 = arith.constant 16 : i32
        %mul3A_223 = arith.muli %mul3A_21, %mul3A_222 : i32
        %add3A_224 = arith.addi %mul3A_223, %scan3A_68 : i32
        %eq3A = arith.constant 0 : i32
        %eq3A_225 = vector.broadcast %eq3A : i32 to vector<16xi32>
        %eq3A_226 = arith.cmpi eq, %iota3A, %eq3A_225 : vector<16xi32>
        %eq3A_227 = arith.constant 1 : i32
        %eq3A_228 = vector.broadcast %eq3A_227 : i32 to vector<16xi32>
        %eq3A_229 = arith.cmpi eq, %iota3A, %eq3A_228 : vector<16xi32>
        %broadcast_in_dim3A_230 = vector.broadcast %mul3A_221 : f32 to vector<16xf32>
        %select_n3A_231 = arith.select %eq3A_229, %gather3A_187, %broadcast_in_dim3A_230 : vector<16xi1>, vector<16xf32>
        %broadcast_in_dim3A_232 = vector.broadcast %mul3A_175 : f32 to vector<16xf32>
        %select_n3A_233 = arith.select %eq3A_226, %broadcast_in_dim3A_232, %select_n3A_231 : vector<16xi1>, vector<16xf32>
        %mul3A_234 = arith.constant 3 : i32
        %mul3A_235 = arith.muli %add3A_224, %mul3A_234 : i32
        %swap3A_236 = arith.index_cast %mul3A_235 : i32 to index
        %swap3A_237 = tpu.vector_load %arg10[%swap3A_236] masked %lt3A_4 {strides = array<i32>} : memref<1552xf32, #tpu.memory_space<vmem>>, vector<16xf32>, vector<16xi1>
        tpu.vector_store %arg10[%swap3A_236], %select_n3A_233 masked %lt3A_4 {strides = array<i32>} : memref<1552xf32, #tpu.memory_space<vmem>>, vector<16xf32>, vector<16xi1>
        %scan3A_238 = arith.constant 0 : i32
        scf.yield %scan3A_238 : i32
      }
      %scan3A_43 = arith.constant 16 : i32
      %add3A_44 = arith.constant 2 : i32
      %add3A_45 = arith.addi %mul3A_21, %add3A_44 : i32
      %lt3A_46 = arith.constant 32 : i32
      %lt3A_47 = arith.cmpi slt, %add3A_45, %lt3A_46 : i32
      %convert_element_type3A = arith.extui %lt3A_47 : i1 to i32
      %cond3A = arith.constant 0 : i32
      %cond3A_48 = arith.cmpi ne, %convert_element_type3A, %cond3A : i32
      scf.if %cond3A_48 {
        %add3A_68 = arith.constant 2 : i32
        %add3A_69 = arith.addi %mul3A_21, %add3A_68 : i32
        %mul3A_70 = arith.constant 16 : i32
        %mul3A_71 = arith.muli %add3A_69, %mul3A_70 : i32
        %add3A_72 = arith.addi %mul3A_2, %mul3A_71 : i32
        %dma_start3A_73 = arith.constant 0 : i32
        %dma_start3A_74 = tpu.memref_slice %arg2[%add3A_72, %dma_start3A_73] : memref<16384x2560xf32, #tpu.memory_space<hbm>> -> memref<16x2560xf32, #tpu.memory_space<hbm>>
        %dma_start3A_75 = arith.constant 0 : i32
        %dma_start3A_76 = tpu.memref_slice %arg2[%add3A_72, %dma_start3A_75] : memref<16384x2560xf32, #tpu.memory_space<hbm>> -> memref<16x2560xf32, #tpu.memory_space<hbm>>
        tpu.enqueue_dma source(%dma_start3A_76 : memref<16x2560xf32, #tpu.memory_space<hbm>>) target(%arg4 : memref<16x2560xf32, #tpu.memory_space<vmem>>) target_semaphore(%arg11 : memref<!tpu.dma_semaphore, #tpu.memory_space<semaphore_mem>>)
      } else {
      }
      %add3A_49 = arith.constant 1 : i32
      %add3A_50 = arith.addi %mul3A_21, %add3A_49 : i32
      %mul3A_51 = arith.constant 16 : i32
      %mul3A_52 = arith.muli %add3A_50, %mul3A_51 : i32
      %add3A_53 = arith.addi %mul3A_2, %mul3A_52 : i32
      %dma_wait3A_54 = arith.constant 0 : i32
      %dma_wait3A_55 = tpu.memref_slice %arg2[%add3A_53, %dma_wait3A_54] : memref<16384x2560xf32, #tpu.memory_space<hbm>> -> memref<16x2560xf32, #tpu.memory_space<hbm>>
      %dma_wait3A_56 = arith.constant 0 : i32
      %dma_wait3A_57 = tpu.memref_slice %arg2[%add3A_53, %dma_wait3A_56] : memref<16384x2560xf32, #tpu.memory_space<hbm>> -> memref<16x2560xf32, #tpu.memory_space<hbm>>
      tpu.wait_dma2 semaphore(%arg12 : memref<!tpu.dma_semaphore, #tpu.memory_space<semaphore_mem>>) src(%dma_wait3A_57 : memref<16x2560xf32, #tpu.memory_space<hbm>>) dst(%arg5 : memref<16x2560xf32, #tpu.memory_space<vmem>>)
      %add3A_58 = arith.constant 1 : i32
      %add3A_59 = arith.addi %mul3A_21, %add3A_58 : i32
      %scan3A_60 = arith.constant 0 : i32
      %scan3A_61 = arith.constant 0 : i32
      %scan3A_62 = arith.constant 16 : i32
      %scan3A_63 = arith.addi %scan3A_61, %scan3A_62 : i32
      %scan3A_64 = arith.constant 1 : i32
      %scan3A_65 = scf.for %scan3A_68 = %scan3A_61 to %scan3A_63 step %scan3A_64 iter_args(%scan3A_69 = %scan3A_60) -> (i32)  : i32 {
        %broadcast_in_dim3A = arith.constant 0xFF800000 : f32
        %broadcast_in_dim3A_70 = vector.broadcast %broadcast_in_dim3A : f32 to vector<16xf32>
        %parallel_loop3A = arith.constant 0 : i32
        %parallel_loop3A_71 = arith.constant 160 : i32
        %parallel_loop3A_72 = arith.constant 1 : i32
        %parallel_loop3A_73:2 = scf.for %parallel_loop3A_239 = %parallel_loop3A to %parallel_loop3A_71 step %parallel_loop3A_72 iter_args(%parallel_loop3A_240 = %broadcast_in_dim3A_70, %parallel_loop3A_241 = %broadcast_in_dim3A_70) -> (vector<16xf32>, vector<16xf32>)  : i32 {
          %parallel_loop3A_242 = arith.constant 16 : i32
          %parallel_loop3A_243 = arith.muli %parallel_loop3A_239, %parallel_loop3A_242 : i32
          %parallel_loop3A_244 = arith.index_cast %scan3A_68 : i32 to index
          %parallel_loop3A_245 = arith.index_cast %parallel_loop3A_243 : i32 to index
          %parallel_loop3A_246 = tpu.vector_load %arg5[%parallel_loop3A_244, %parallel_loop3A_245] {strides = array<i32>} : memref<16x2560xf32, #tpu.memory_space<vmem>>, vector<16xf32>,
          %parallel_loop3A_247 = arith.minimumf %parallel_loop3A_240, %parallel_loop3A_246 : vector<16xf32>
          %parallel_loop3A_248 = arith.maximumf %parallel_loop3A_240, %parallel_loop3A_246 : vector<16xf32>
          %parallel_loop3A_249 = arith.maximumf %parallel_loop3A_241, %parallel_loop3A_247 : vector<16xf32>
          scf.yield %parallel_loop3A_248, %parallel_loop3A_249 : vector<16xf32>, vector<16xf32>
        } {sc.loop_unroll_factor = 8 : i64, sc.parallel_access}
        %sort3A = arith.constant dense<true> : vector<16xi1>
        %sort3A_74, %sort3A_75, %sort3A_76 = tpu.sort %parallel_loop3A_73#0, %parallel_loop3A_73#0 masked %sort3A : (vector<16xf32>, vector<16xf32>, vector<16xi1>) -> (vector<16xi1>, vector<16xf32>, vector<16xf32>)
        %rev3A = arith.constant 15 : i32
        %rev3A_77 = vector.broadcast %rev3A : i32 to vector<16xi32>
        %rev3A_78 = tpu.iota {dimensions = array<i32: 0>} : vector<16xi32>
        %rev3A_79 = arith.subi %rev3A_77, %rev3A_78 : vector<16xi32>
        %rev3A_80 = tpu.dynamic_gather %sort3A_75[%rev3A_79] in [0] : vector<16xf32>, vector<16xi32> -> vector<16xf32>
        %sort3A_81 = arith.constant dense<true> : vector<16xi1>
        %sort3A_82, %sort3A_83, %sort3A_84 = tpu.sort %parallel_loop3A_73#1, %parallel_loop3A_73#1 masked %sort3A_81 : (vector<16xf32>, vector<16xf32>, vector<16xi1>) -> (vector<16xi1>, vector<16xf32>, vector<16xf32>)
        %max3A = arith.maximumf %rev3A_80, %sort3A_83 : vector<16xf32>
        %sort3A_85 = arith.constant dense<true> : vector<16xi1>
        %sort3A_86, %sort3A_87, %sort3A_88 = tpu.sort %max3A, %max3A masked %sort3A_85 : (vector<16xf32>, vector<16xf32>, vector<16xi1>) -> (vector<16xi1>, vector<16xf32>, vector<16xf32>)
        %broadcast_in_dim3A_89 = arith.constant 6 : i32
        %broadcast_in_dim3A_90 = vector.broadcast %broadcast_in_dim3A_89 : i32 to vector<16xi32>
        %lt3A_91 = arith.constant 0 : i32
        %lt3A_92 = vector.broadcast %lt3A_91 : i32 to vector<16xi32>
        %lt3A_93 = arith.cmpi slt, %broadcast_in_dim3A_90, %lt3A_92 : vector<16xi32>
        %add3A_94 = arith.constant 16 : i32
        %add3A_95 = vector.broadcast %add3A_94 : i32 to vector<16xi32>
        %add3A_96 = arith.addi %broadcast_in_dim3A_90, %add3A_95 : vector<16xi32>
        %select_n3A = arith.select %lt3A_93, %add3A_96, %broadcast_in_dim3A_90 : vector<16xi1>, vector<16xi32>
        %broadcast_in_dim3A_97 = vector.shape_cast %select_n3A : vector<16xi32> to vector<16x1xi32>
        %gather3A = vector.shape_cast %broadcast_in_dim3A_97 : vector<16x1xi32> to vector<16xi32>
        %gather3A_98 = tpu.dynamic_gather %sort3A_87[%gather3A] in [0] : vector<16xf32>, vector<16xi32> -> vector<16xf32>
        %broadcast_in_dim3A_99 = arith.constant 0 : i32
        %broadcast_in_dim3A_100 = vector.broadcast %broadcast_in_dim3A_99 : i32 to vector<16xi32>
        %scan3A_101 = arith.constant 0 : i32
        %scan3A_102 = arith.constant 160 : i32
        %scan3A_103 = arith.addi %scan3A_101, %scan3A_102 : i32
        %scan3A_104 = arith.constant 8 : i32
        %scan3A_105:2 = scf.for %scan3A_239 = %scan3A_101 to %scan3A_103 step %scan3A_104 iter_args(%scan3A_240 = %broadcast_in_dim3A_100, %scan3A_241 = %iota3A) -> (vector<16xi32>, vector<16xi32>)  : i32 {
          %mul3A_242 = arith.constant 16 : i32
          %mul3A_243 = arith.muli %scan3A_239, %mul3A_242 : i32
          %get3A = arith.index_cast %scan3A_68 : i32 to index
          %get3A_244 = arith.index_cast %mul3A_243 : i32 to index
          %get3A_245 = tpu.vector_load %arg5[%get3A, %get3A_244] {strides = array<i32>} : memref<16x2560xf32, #tpu.memory_space<vmem>>, vector<16xf32>,
          %ge3A = arith.cmpf oge, %get3A_245, %gather3A_98 : vector<16xf32>
          %all_reduce_population_count3A = tpu.all_reduce %ge3A {dim = 0 : i64, kind = #tpu.reduction_kind<sum>} : vector<16xi1> -> vector<16xi32>
          %add3A_246 = arith.addi %scan3A_240, %iota3A : vector<16xi32>
          tpu.vector_store_idx %arg6[%add3A_246], %get3A_245 : memref<2576xf32, #tpu.memory_space<vmem>>[vector<16xi32>], vector<16xf32>,
          tpu.vector_store_idx %arg7[%add3A_246], %scan3A_241 : memref<2576xi32, #tpu.memory_space<vmem>>[vector<16xi32>], vector<16xi32>,
          %min3A = arith.constant 1 : i32
          %min3A_247 = vector.broadcast %min3A : i32 to vector<16xi32>
          %min3A_248 = arith.minsi %all_reduce_population_count3A, %min3A_247 : vector<16xi32>
          %mul3A_249 = arith.constant 16 : i32
          %mul3A_250 = vector.broadcast %mul3A_249 : i32 to vector<16xi32>
          %mul3A_251 = arith.muli %min3A_248, %mul3A_250 : vector<16xi32>
          %add3A_252 = arith.addi %scan3A_240, %mul3A_251 : vector<16xi32>
          %add3A_253 = arith.constant 16 : i32
          %add3A_254 = vector.broadcast %add3A_253 : i32 to vector<16xi32>
          %add3A_255 = arith.addi %scan3A_241, %add3A_254 : vector<16xi32>
          %scan3A_256 = arith.constant 1 : i32
          %scan3A_257 = arith.addi %scan3A_239, %scan3A_256 : i32
          %mul3A_258 = arith.constant 16 : i32
          %mul3A_259 = arith.muli %scan3A_257, %mul3A_258 : i32
          %get3A_260 = arith.index_cast %scan3A_68 : i32 to index
          %get3A_261 = arith.index_cast %mul3A_259 : i32 to index
          %get3A_262 = tpu.vector_load %arg5[%get3A_260, %get3A_261] {strides = array<i32>} : memref<16x2560xf32, #tpu.memory_space<vmem>>, vector<16xf32>,
          %ge3A_263 = arith.cmpf oge, %get3A_262, %gather3A_98 : vector<16xf32>
          %all_reduce_population_count3A_264 = tpu.all_reduce %ge3A_263 {dim = 0 : i64, kind = #tpu.reduction_kind<sum>} : vector<16xi1> -> vector<16xi32>
          %add3A_265 = arith.addi %add3A_252, %iota3A : vector<16xi32>
          tpu.vector_store_idx %arg6[%add3A_265], %get3A_262 : memref<2576xf32, #tpu.memory_space<vmem>>[vector<16xi32>], vector<16xf32>,
          tpu.vector_store_idx %arg7[%add3A_265], %add3A_255 : memref<2576xi32, #tpu.memory_space<vmem>>[vector<16xi32>], vector<16xi32>,
          %min3A_266 = arith.constant 1 : i32
          %min3A_267 = vector.broadcast %min3A_266 : i32 to vector<16xi32>
          %min3A_268 = arith.minsi %all_reduce_population_count3A_264, %min3A_267 : vector<16xi32>
          %mul3A_269 = arith.constant 16 : i32
          %mul3A_270 = vector.broadcast %mul3A_269 : i32 to vector<16xi32>
          %mul3A_271 = arith.muli %min3A_268, %mul3A_270 : vector<16xi32>
          %add3A_272 = arith.addi %add3A_252, %mul3A_271 : vector<16xi32>
          %add3A_273 = arith.constant 16 : i32
          %add3A_274 = vector.broadcast %add3A_273 : i32 to vector<16xi32>
          %add3A_275 = arith.addi %add3A_255, %add3A_274 : vector<16xi32>
          %scan3A_276 = arith.constant 2 : i32
          %scan3A_277 = arith.addi %scan3A_239, %scan3A_276 : i32
          %mul3A_278 = arith.constant 16 : i32
          %mul3A_279 = arith.muli %scan3A_277, %mul3A_278 : i32
          %get3A_280 = arith.index_cast %scan3A_68 : i32 to index
          %get3A_281 = arith.index_cast %mul3A_279 : i32 to index
          %get3A_282 = tpu.vector_load %arg5[%get3A_280, %get3A_281] {strides = array<i32>} : memref<16x2560xf32, #tpu.memory_space<vmem>>, vector<16xf32>,
          %ge3A_283 = arith.cmpf oge, %get3A_282, %gather3A_98 : vector<16xf32>
          %all_reduce_population_count3A_284 = tpu.all_reduce %ge3A_283 {dim = 0 : i64, kind = #tpu.reduction_kind<sum>} : vector<16xi1> -> vector<16xi32>
          %add3A_285 = arith.addi %add3A_272, %iota3A : vector<16xi32>
          tpu.vector_store_idx %arg6[%add3A_285], %get3A_282 : memref<2576xf32, #tpu.memory_space<vmem>>[vector<16xi32>], vector<16xf32>,
          tpu.vector_store_idx %arg7[%add3A_285], %add3A_275 : memref<2576xi32, #tpu.memory_space<vmem>>[vector<16xi32>], vector<16xi32>,
          %min3A_286 = arith.constant 1 : i32
          %min3A_287 = vector.broadcast %min3A_286 : i32 to vector<16xi32>
          %min3A_288 = arith.minsi %all_reduce_population_count3A_284, %min3A_287 : vector<16xi32>
          %mul3A_289 = arith.constant 16 : i32
          %mul3A_290 = vector.broadcast %mul3A_289 : i32 to vector<16xi32>
          %mul3A_291 = arith.muli %min3A_288, %mul3A_290 : vector<16xi32>
          %add3A_292 = arith.addi %add3A_272, %mul3A_291 : vector<16xi32>
          %add3A_293 = arith.constant 16 : i32
          %add3A_294 = vector.broadcast %add3A_293 : i32 to vector<16xi32>
          %add3A_295 = arith.addi %add3A_275, %add3A_294 : vector<16xi32>
          %scan3A_296 = arith.constant 3 : i32
          %scan3A_297 = arith.addi %scan3A_239, %scan3A_296 : i32
          %mul3A_298 = arith.constant 16 : i32
          %mul3A_299 = arith.muli %scan3A_297, %mul3A_298 : i32
          %get3A_300 = arith.index_cast %scan3A_68 : i32 to index
          %get3A_301 = arith.index_cast %mul3A_299 : i32 to index
          %get3A_302 = tpu.vector_load %arg5[%get3A_300, %get3A_301] {strides = array<i32>} : memref<16x2560xf32, #tpu.memory_space<vmem>>, vector<16xf32>,
          %ge3A_303 = arith.cmpf oge, %get3A_302, %gather3A_98 : vector<16xf32>
          %all_reduce_population_count3A_304 = tpu.all_reduce %ge3A_303 {dim = 0 : i64, kind = #tpu.reduction_kind<sum>} : vector<16xi1> -> vector<16xi32>
          %add3A_305 = arith.addi %add3A_292, %iota3A : vector<16xi32>
          tpu.vector_store_idx %arg6[%add3A_305], %get3A_302 : memref<2576xf32, #tpu.memory_space<vmem>>[vector<16xi32>], vector<16xf32>,
          tpu.vector_store_idx %arg7[%add3A_305], %add3A_295 : memref<2576xi32, #tpu.memory_space<vmem>>[vector<16xi32>], vector<16xi32>,
          %min3A_306 = arith.constant 1 : i32
          %min3A_307 = vector.broadcast %min3A_306 : i32 to vector<16xi32>
          %min3A_308 = arith.minsi %all_reduce_population_count3A_304, %min3A_307 : vector<16xi32>
          %mul3A_309 = arith.constant 16 : i32
          %mul3A_310 = vector.broadcast %mul3A_309 : i32 to vector<16xi32>
          %mul3A_311 = arith.muli %min3A_308, %mul3A_310 : vector<16xi32>
          %add3A_312 = arith.addi %add3A_292, %mul3A_311 : vector<16xi32>
          %add3A_313 = arith.constant 16 : i32
          %add3A_314 = vector.broadcast %add3A_313 : i32 to vector<16xi32>
          %add3A_315 = arith.addi %add3A_295, %add3A_314 : vector<16xi32>
          %scan3A_316 = arith.constant 4 : i32
          %scan3A_317 = arith.addi %scan3A_239, %scan3A_316 : i32
          %mul3A_318 = arith.constant 16 : i32
          %mul3A_319 = arith.muli %scan3A_317, %mul3A_318 : i32
          %get3A_320 = arith.index_cast %scan3A_68 : i32 to index
          %get3A_321 = arith.index_cast %mul3A_319 : i32 to index
          %get3A_322 = tpu.vector_load %arg5[%get3A_320, %get3A_321] {strides = array<i32>} : memref<16x2560xf32, #tpu.memory_space<vmem>>, vector<16xf32>,
          %ge3A_323 = arith.cmpf oge, %get3A_322, %gather3A_98 : vector<16xf32>
          %all_reduce_population_count3A_324 = tpu.all_reduce %ge3A_323 {dim = 0 : i64, kind = #tpu.reduction_kind<sum>} : vector<16xi1> -> vector<16xi32>
          %add3A_325 = arith.addi %add3A_312, %iota3A : vector<16xi32>
          tpu.vector_store_idx %arg6[%add3A_325], %get3A_322 : memref<2576xf32, #tpu.memory_space<vmem>>[vector<16xi32>], vector<16xf32>,
          tpu.vector_store_idx %arg7[%add3A_325], %add3A_315 : memref<2576xi32, #tpu.memory_space<vmem>>[vector<16xi32>], vector<16xi32>,
          %min3A_326 = arith.constant 1 : i32
          %min3A_327 = vector.broadcast %min3A_326 : i32 to vector<16xi32>
          %min3A_328 = arith.minsi %all_reduce_population_count3A_324, %min3A_327 : vector<16xi32>
          %mul3A_329 = arith.constant 16 : i32
          %mul3A_330 = vector.broadcast %mul3A_329 : i32 to vector<16xi32>
          %mul3A_331 = arith.muli %min3A_328, %mul3A_330 : vector<16xi32>
          %add3A_332 = arith.addi %add3A_312, %mul3A_331 : vector<16xi32>
          %add3A_333 = arith.constant 16 : i32
          %add3A_334 = vector.broadcast %add3A_333 : i32 to vector<16xi32>
          %add3A_335 = arith.addi %add3A_315, %add3A_334 : vector<16xi32>
          %scan3A_336 = arith.constant 5 : i32
          %scan3A_337 = arith.addi %scan3A_239, %scan3A_336 : i32
          %mul3A_338 = arith.constant 16 : i32
          %mul3A_339 = arith.muli %scan3A_337, %mul3A_338 : i32
          %get3A_340 = arith.index_cast %scan3A_68 : i32 to index
          %get3A_341 = arith.index_cast %mul3A_339 : i32 to index
          %get3A_342 = tpu.vector_load %arg5[%get3A_340, %get3A_341] {strides = array<i32>} : memref<16x2560xf32, #tpu.memory_space<vmem>>, vector<16xf32>,
          %ge3A_343 = arith.cmpf oge, %get3A_342, %gather3A_98 : vector<16xf32>
          %all_reduce_population_count3A_344 = tpu.all_reduce %ge3A_343 {dim = 0 : i64, kind = #tpu.reduction_kind<sum>} : vector<16xi1> -> vector<16xi32>
          %add3A_345 = arith.addi %add3A_332, %iota3A : vector<16xi32>
          tpu.vector_store_idx %arg6[%add3A_345], %get3A_342 : memref<2576xf32, #tpu.memory_space<vmem>>[vector<16xi32>], vector<16xf32>,
          tpu.vector_store_idx %arg7[%add3A_345], %add3A_335 : memref<2576xi32, #tpu.memory_space<vmem>>[vector<16xi32>], vector<16xi32>,
          %min3A_346 = arith.constant 1 : i32
          %min3A_347 = vector.broadcast %min3A_346 : i32 to vector<16xi32>
          %min3A_348 = arith.minsi %all_reduce_population_count3A_344, %min3A_347 : vector<16xi32>
          %mul3A_349 = arith.constant 16 : i32
          %mul3A_350 = vector.broadcast %mul3A_349 : i32 to vector<16xi32>
          %mul3A_351 = arith.muli %min3A_348, %mul3A_350 : vector<16xi32>
          %add3A_352 = arith.addi %add3A_332, %mul3A_351 : vector<16xi32>
          %add3A_353 = arith.constant 16 : i32
          %add3A_354 = vector.broadcast %add3A_353 : i32 to vector<16xi32>
          %add3A_355 = arith.addi %add3A_335, %add3A_354 : vector<16xi32>
          %scan3A_356 = arith.constant 6 : i32
          %scan3A_357 = arith.addi %scan3A_239, %scan3A_356 : i32
          %mul3A_358 = arith.constant 16 : i32
          %mul3A_359 = arith.muli %scan3A_357, %mul3A_358 : i32
          %get3A_360 = arith.index_cast %scan3A_68 : i32 to index
          %get3A_361 = arith.index_cast %mul3A_359 : i32 to index
          %get3A_362 = tpu.vector_load %arg5[%get3A_360, %get3A_361] {strides = array<i32>} : memref<16x2560xf32, #tpu.memory_space<vmem>>, vector<16xf32>,
          %ge3A_363 = arith.cmpf oge, %get3A_362, %gather3A_98 : vector<16xf32>
          %all_reduce_population_count3A_364 = tpu.all_reduce %ge3A_363 {dim = 0 : i64, kind = #tpu.reduction_kind<sum>} : vector<16xi1> -> vector<16xi32>
          %add3A_365 = arith.addi %add3A_352, %iota3A : vector<16xi32>
          tpu.vector_store_idx %arg6[%add3A_365], %get3A_362 : memref<2576xf32, #tpu.memory_space<vmem>>[vector<16xi32>], vector<16xf32>,
          tpu.vector_store_idx %arg7[%add3A_365], %add3A_355 : memref<2576xi32, #tpu.memory_space<vmem>>[vector<16xi32>], vector<16xi32>,
          %min3A_366 = arith.constant 1 : i32
          %min3A_367 = vector.broadcast %min3A_366 : i32 to vector<16xi32>
          %min3A_368 = arith.minsi %all_reduce_population_count3A_364, %min3A_367 : vector<16xi32>
          %mul3A_369 = arith.constant 16 : i32
          %mul3A_370 = vector.broadcast %mul3A_369 : i32 to vector<16xi32>
          %mul3A_371 = arith.muli %min3A_368, %mul3A_370 : vector<16xi32>
          %add3A_372 = arith.addi %add3A_352, %mul3A_371 : vector<16xi32>
          %add3A_373 = arith.constant 16 : i32
          %add3A_374 = vector.broadcast %add3A_373 : i32 to vector<16xi32>
          %add3A_375 = arith.addi %add3A_355, %add3A_374 : vector<16xi32>
          %scan3A_376 = arith.constant 7 : i32
          %scan3A_377 = arith.addi %scan3A_239, %scan3A_376 : i32
          %mul3A_378 = arith.constant 16 : i32
          %mul3A_379 = arith.muli %scan3A_377, %mul3A_378 : i32
          %get3A_380 = arith.index_cast %scan3A_68 : i32 to index
          %get3A_381 = arith.index_cast %mul3A_379 : i32 to index
          %get3A_382 = tpu.vector_load %arg5[%get3A_380, %get3A_381] {strides = array<i32>} : memref<16x2560xf32, #tpu.memory_space<vmem>>, vector<16xf32>,
          %ge3A_383 = arith.cmpf oge, %get3A_382, %gather3A_98 : vector<16xf32>
          %all_reduce_population_count3A_384 = tpu.all_reduce %ge3A_383 {dim = 0 : i64, kind = #tpu.reduction_kind<sum>} : vector<16xi1> -> vector<16xi32>
          %add3A_385 = arith.addi %add3A_372, %iota3A : vector<16xi32>
          tpu.vector_store_idx %arg6[%add3A_385], %get3A_382 : memref<2576xf32, #tpu.memory_space<vmem>>[vector<16xi32>], vector<16xf32>,
          tpu.vector_store_idx %arg7[%add3A_385], %add3A_375 : memref<2576xi32, #tpu.memory_space<vmem>>[vector<16xi32>], vector<16xi32>,
          %min3A_386 = arith.constant 1 : i32
          %min3A_387 = vector.broadcast %min3A_386 : i32 to vector<16xi32>
          %min3A_388 = arith.minsi %all_reduce_population_count3A_384, %min3A_387 : vector<16xi32>
          %mul3A_389 = arith.constant 16 : i32
          %mul3A_390 = vector.broadcast %mul3A_389 : i32 to vector<16xi32>
          %mul3A_391 = arith.muli %min3A_388, %mul3A_390 : vector<16xi32>
          %add3A_392 = arith.addi %add3A_372, %mul3A_391 : vector<16xi32>
          %add3A_393 = arith.constant 16 : i32
          %add3A_394 = vector.broadcast %add3A_393 : i32 to vector<16xi32>
          %add3A_395 = arith.addi %add3A_375, %add3A_394 : vector<16xi32>
          scf.yield %add3A_392, %add3A_395 : vector<16xi32>, vector<16xi32>
        }
        %scan3A_106 = arith.constant 160 : i32
        %convert_element_type3A_107 = arith.sitofp %scan3A_105#0 : vector<16xi32> to vector<16xf32>
        %reduce_max3A = arith.constant true
        %reduce_max3A_108 = vector.broadcast %reduce_max3A : i1 to vector<16xi1>
        %reduce_max3A_109 = tpu.scan <max>, %convert_element_type3A_107 masked %reduce_max3A_108 : vector<16xf32>, vector<16xi1> -> vector<16xf32>
        %reduce_max3A_110 = vector.extract %reduce_max3A_109[15] : f32 from vector<16xf32>
        %mul3A_111 = arith.constant 6.250000e-02 : f32
        %mul3A_112 = arith.mulf %reduce_max3A_110, %mul3A_111 : f32
        %convert_element_type3A_113 = arith.fptosi %mul3A_112 : f32 to i32
        %while3A = arith.constant 0 : i32
        %while3A_114 = arith.constant 0 : i32
        %while3A_115 = arith.subi %convert_element_type3A_113, %while3A : i32
        %while3A_116 = arith.addi %while3A, %while3A_115 : i32
        %while3A_117 = arith.constant 1 : i32
        %while3A_118 = arith.divsi %while3A_115, %while3A_117 : i32
        %while3A_119 = arith.muli %while3A_118, %while3A_117 : i32
        %while3A_120 = arith.addi %while3A, %while3A_119 : i32
        %while3A_121 = arith.constant 1 : i32
        %while3A_122 = scf.for %while3A_239 = %while3A to %while3A_120 step %while3A_121 iter_args(%while3A_240 = %while3A_114) -> (i32)  : i32 {
          %mul3A_241 = arith.constant 16 : i32
          %mul3A_242 = arith.muli %while3A_239, %mul3A_241 : i32
          %get3A = arith.index_cast %mul3A_242 : i32 to index
          %get3A_243 = tpu.vector_load %arg6[%get3A] {strides = array<i32>} : memref<2576xf32, #tpu.memory_space<vmem>>, vector<16xf32>,
          %mul3A_244 = arith.constant 16 : i32
          %mul3A_245 = arith.muli %while3A_239, %mul3A_244 : i32
          %get3A_246 = arith.index_cast %mul3A_245 : i32 to index
          %get3A_247 = tpu.vector_load %arg7[%get3A_246] {strides = array<i32>} : memref<2576xi32, #tpu.memory_space<vmem>>, vector<16xi32>,
          %ge3A = arith.cmpf oge, %get3A_243, %gather3A_98 : vector<16xf32>
          %swap3A_248 = arith.index_cast %while3A_240 : i32 to index
          %swap3A_249 = tpu.vector_load %arg8[%swap3A_248] masked %ge3A {strides = array<i32>} : memref<2576xf32, #tpu.memory_space<vmem>>, vector<16xf32>, vector<16xi1>
          tpu.vector_store %arg8[%swap3A_248], %get3A_243 masked %ge3A {strides = array<i32>} : memref<2576xf32, #tpu.memory_space<vmem>>, vector<16xf32>, vector<16xi1>
          %swap3A_250 = arith.index_cast %while3A_240 : i32 to index
          %swap3A_251 = tpu.vector_load %arg9[%swap3A_250] masked %ge3A {strides = array<i32>} : memref<2576xi32, #tpu.memory_space<vmem>>, vector<16xi32>, vector<16xi1>
          tpu.vector_store %arg9[%swap3A_250], %get3A_247 masked %ge3A {strides = array<i32>} : memref<2576xi32, #tpu.memory_space<vmem>>, vector<16xi32>, vector<16xi1>
          %convert_element_type3A_252 = arith.extui %ge3A : vector<16xi1> to vector<16xi32>
          %reduce_sum3A_253 = arith.constant true
          %reduce_sum3A_254 = vector.broadcast %reduce_sum3A_253 : i1 to vector<16xi1>
          %reduce_sum3A_255 = tpu.scan <sum>, %convert_element_type3A_252 masked %reduce_sum3A_254 : vector<16xi32>, vector<16xi1> -> vector<16xi32>
          %reduce_sum3A_256 = vector.extract %reduce_sum3A_255[15] : i32 from vector<16xi32>
          %add3A_257 = arith.addi %while3A_240, %reduce_sum3A_256 : i32
          scf.yield %add3A_257 : i32
        }
        %while3A_123 = arith.constant 1 : i32
        %while3A_124 = scf.for %while3A_239 = %while3A_120 to %while3A_116 step %while3A_123 iter_args(%while3A_240 = %while3A_122) -> (i32)  : i32 {
          %mul3A_241 = arith.constant 16 : i32
          %mul3A_242 = arith.muli %while3A_239, %mul3A_241 : i32
          %get3A = arith.index_cast %mul3A_242 : i32 to index
          %get3A_243 = tpu.vector_load %arg6[%get3A] {strides = array<i32>} : memref<2576xf32, #tpu.memory_space<vmem>>, vector<16xf32>,
          %mul3A_244 = arith.constant 16 : i32
          %mul3A_245 = arith.muli %while3A_239, %mul3A_244 : i32
          %get3A_246 = arith.index_cast %mul3A_245 : i32 to index
          %get3A_247 = tpu.vector_load %arg7[%get3A_246] {strides = array<i32>} : memref<2576xi32, #tpu.memory_space<vmem>>, vector<16xi32>,
          %ge3A = arith.cmpf oge, %get3A_243, %gather3A_98 : vector<16xf32>
          %swap3A_248 = arith.index_cast %while3A_240 : i32 to index
          %swap3A_249 = tpu.vector_load %arg8[%swap3A_248] masked %ge3A {strides = array<i32>} : memref<2576xf32, #tpu.memory_space<vmem>>, vector<16xf32>, vector<16xi1>
          tpu.vector_store %arg8[%swap3A_248], %get3A_243 masked %ge3A {strides = array<i32>} : memref<2576xf32, #tpu.memory_space<vmem>>, vector<16xf32>, vector<16xi1>
          %swap3A_250 = arith.index_cast %while3A_240 : i32 to index
          %swap3A_251 = tpu.vector_load %arg9[%swap3A_250] masked %ge3A {strides = array<i32>} : memref<2576xi32, #tpu.memory_space<vmem>>, vector<16xi32>, vector<16xi1>
          tpu.vector_store %arg9[%swap3A_250], %get3A_247 masked %ge3A {strides = array<i32>} : memref<2576xi32, #tpu.memory_space<vmem>>, vector<16xi32>, vector<16xi1>
          %convert_element_type3A_252 = arith.extui %ge3A : vector<16xi1> to vector<16xi32>
          %reduce_sum3A_253 = arith.constant true
          %reduce_sum3A_254 = vector.broadcast %reduce_sum3A_253 : i1 to vector<16xi1>
          %reduce_sum3A_255 = tpu.scan <sum>, %convert_element_type3A_252 masked %reduce_sum3A_254 : vector<16xi32>, vector<16xi1> -> vector<16xi32>
          %reduce_sum3A_256 = vector.extract %reduce_sum3A_255[15] : i32 from vector<16xi32>
          %add3A_257 = arith.addi %while3A_240, %reduce_sum3A_256 : i32
          scf.yield %add3A_257 : i32
        }
        %swap3A = arith.index_cast %while3A_124 : i32 to index
        %swap3A_125 = tpu.vector_load %arg8[%swap3A] {strides = array<i32>} : memref<2576xf32, #tpu.memory_space<vmem>>, vector<16xf32>,
        tpu.vector_store %arg8[%swap3A], %broadcast_in_dim3A_70 {strides = array<i32>} : memref<2576xf32, #tpu.memory_space<vmem>>, vector<16xf32>,
        %broadcast_in_dim3A_126 = arith.constant 0 : i32
        %broadcast_in_dim3A_127 = vector.broadcast %broadcast_in_dim3A_126 : i32 to vector<16xi32>
        %swap3A_128 = arith.index_cast %while3A_124 : i32 to index
        %swap3A_129 = tpu.vector_load %arg9[%swap3A_128] {strides = array<i32>} : memref<2576xi32, #tpu.memory_space<vmem>>, vector<16xi32>,
        tpu.vector_store %arg9[%swap3A_128], %broadcast_in_dim3A_127 {strides = array<i32>} : memref<2576xi32, #tpu.memory_space<vmem>>, vector<16xi32>,
        %add3A_130 = arith.constant 15 : i32
        %add3A_131 = arith.addi %while3A_124, %add3A_130 : i32
        %jit3A = arith.constant 16 : i32
        %div3A = arith.divsi %add3A_131, %jit3A : i32
        %sign3A = arith.constant 0 : i32
        %sign3A_132 = arith.cmpi sgt, %add3A_131, %sign3A : i32
        %sign3A_133 = arith.extui %sign3A_132 : i1 to i32
        %sign3A_134 = arith.constant 0 : i32
        %sign3A_135 = arith.cmpi slt, %add3A_131, %sign3A_134 : i32
        %sign3A_136 = arith.extui %sign3A_135 : i1 to i32
        %sign3A_137 = arith.subi %sign3A_133, %sign3A_136 : i32
        %sign3A_138 = arith.constant 0 : i32
        %sign3A_139 = arith.cmpi sgt, %jit3A, %sign3A_138 : i32
        %sign3A_140 = arith.extui %sign3A_139 : i1 to i32
        %sign3A_141 = arith.constant 0 : i32
        %sign3A_142 = arith.cmpi slt, %jit3A, %sign3A_141 : i32
        %sign3A_143 = arith.extui %sign3A_142 : i1 to i32
        %sign3A_144 = arith.subi %sign3A_140, %sign3A_143 : i32
        %ne3A = arith.cmpi ne, %sign3A_137, %sign3A_144 : i32
        %rem3A = arith.remsi %add3A_131, %jit3A : i32
        %ne3A_145 = arith.constant 0 : i32
        %ne3A_146 = arith.cmpi ne, %rem3A, %ne3A_145 : i32
        %and3A = arith.andi %ne3A, %ne3A_146 : i1
        %sub3A = arith.constant 1 : i32
        %sub3A_147 = arith.subi %div3A, %sub3A : i32
        %select_n3A_148 = arith.select %and3A, %sub3A_147, %div3A : i32
        %broadcast_in_dim3A_149 = arith.constant 0xFF800000 : f32
        %broadcast_in_dim3A_150 = vector.broadcast %broadcast_in_dim3A_149 : f32 to vector<16xf32>
        %broadcast_in_dim3A_151 = arith.constant 0 : i32
        %broadcast_in_dim3A_152 = vector.broadcast %broadcast_in_dim3A_151 : i32 to vector<16xi32>
        %while3A_153 = arith.constant 0 : i32
        %while3A_154 = arith.subi %select_n3A_148, %while3A_153 : i32
        %while3A_155 = arith.addi %while3A_153, %while3A_154 : i32
        %while3A_156 = arith.constant 1 : i32
        %while3A_157 = arith.divsi %while3A_154, %while3A_156 : i32
        %while3A_158 = arith.muli %while3A_157, %while3A_156 : i32
        %while3A_159 = arith.addi %while3A_153, %while3A_158 : i32
        %while3A_160 = arith.constant 1 : i32
        %while3A_161:2 = scf.for %while3A_239 = %while3A_153 to %while3A_159 step %while3A_160 iter_args(%while3A_240 = %broadcast_in_dim3A_150, %while3A_241 = %broadcast_in_dim3A_152) -> (vector<16xf32>, vector<16xi32>)  : i32 {
          %mul3A_242 = arith.constant 16 : i32
          %mul3A_243 = arith.muli %while3A_239, %mul3A_242 : i32
          %get3A = arith.index_cast %mul3A_243 : i32 to index
          %get3A_244 = tpu.vector_load %arg8[%get3A] {strides = array<i32>} : memref<2576xf32, #tpu.memory_space<vmem>>, vector<16xf32>,
          %mul3A_245 = arith.constant 16 : i32
          %mul3A_246 = arith.muli %while3A_239, %mul3A_245 : i32
          %get3A_247 = arith.index_cast %mul3A_246 : i32 to index
          %get3A_248 = tpu.vector_load %arg9[%get3A_247] {strides = array<i32>} : memref<2576xi32, #tpu.memory_space<vmem>>, vector<16xi32>,
          %masked_sort3A = arith.constant dense<true> : vector<16xi1>
          %masked_sort3A_249, %masked_sort3A_250, %masked_sort3A_251 = tpu.sort %get3A_244, %get3A_248 masked %masked_sort3A : (vector<16xf32>, vector<16xi32>, vector<16xi1>) -> (vector<16xi1>, vector<16xf32>, vector<16xi32>)
          %gt3A = arith.cmpf ogt, %masked_sort3A_250, %while3A_240 : vector<16xf32>
          %select_n3A_252 = arith.select %gt3A, %masked_sort3A_250, %while3A_240 : vector<16xi1>, vector<16xf32>
          %select_n3A_253 = arith.select %gt3A, %masked_sort3A_251, %while3A_241 : vector<16xi1>, vector<16xi32>
          %masked_sort3A_254 = arith.constant dense<true> : vector<16xi1>
          %masked_sort3A_255, %masked_sort3A_256, %masked_sort3A_257 = tpu.sort %select_n3A_252, %select_n3A_253 masked %masked_sort3A_254 {descending = true} : (vector<16xf32>, vector<16xi32>, vector<16xi1>) -> (vector<16xi1>, vector<16xf32>, vector<16xi32>)
          scf.yield %masked_sort3A_256, %masked_sort3A_257 : vector<16xf32>, vector<16xi32>
        }
        %while3A_162 = arith.constant 1 : i32
        %while3A_163:2 = scf.for %while3A_239 = %while3A_159 to %while3A_155 step %while3A_162 iter_args(%while3A_240 = %while3A_161#0, %while3A_241 = %while3A_161#1) -> (vector<16xf32>, vector<16xi32>)  : i32 {
          %mul3A_242 = arith.constant 16 : i32
          %mul3A_243 = arith.muli %while3A_239, %mul3A_242 : i32
          %get3A = arith.index_cast %mul3A_243 : i32 to index
          %get3A_244 = tpu.vector_load %arg8[%get3A] {strides = array<i32>} : memref<2576xf32, #tpu.memory_space<vmem>>, vector<16xf32>,
          %mul3A_245 = arith.constant 16 : i32
          %mul3A_246 = arith.muli %while3A_239, %mul3A_245 : i32
          %get3A_247 = arith.index_cast %mul3A_246 : i32 to index
          %get3A_248 = tpu.vector_load %arg9[%get3A_247] {strides = array<i32>} : memref<2576xi32, #tpu.memory_space<vmem>>, vector<16xi32>,
          %masked_sort3A = arith.constant dense<true> : vector<16xi1>
          %masked_sort3A_249, %masked_sort3A_250, %masked_sort3A_251 = tpu.sort %get3A_244, %get3A_248 masked %masked_sort3A : (vector<16xf32>, vector<16xi32>, vector<16xi1>) -> (vector<16xi1>, vector<16xf32>, vector<16xi32>)
          %gt3A = arith.cmpf ogt, %masked_sort3A_250, %while3A_240 : vector<16xf32>
          %select_n3A_252 = arith.select %gt3A, %masked_sort3A_250, %while3A_240 : vector<16xi1>, vector<16xf32>
          %select_n3A_253 = arith.select %gt3A, %masked_sort3A_251, %while3A_241 : vector<16xi1>, vector<16xi32>
          %masked_sort3A_254 = arith.constant dense<true> : vector<16xi1>
          %masked_sort3A_255, %masked_sort3A_256, %masked_sort3A_257 = tpu.sort %select_n3A_252, %select_n3A_253 masked %masked_sort3A_254 {descending = true} : (vector<16xf32>, vector<16xi32>, vector<16xi1>) -> (vector<16xi1>, vector<16xf32>, vector<16xi32>)
          scf.yield %masked_sort3A_256, %masked_sort3A_257 : vector<16xf32>, vector<16xi32>
        }
        %lt3A_164 = arith.constant 10 : i32
        %lt3A_165 = vector.broadcast %lt3A_164 : i32 to vector<16xi32>
        %lt3A_166 = arith.cmpi slt, %iota3A, %lt3A_165 : vector<16xi32>
        %convert_element_type3A_167 = arith.sitofp %while3A_163#1 : vector<16xi32> to vector<16xf32>
        %jit3A_168 = arith.constant 0.000000e+00 : f32
        %broadcast_in_dim3A_169 = vector.broadcast %jit3A_168 : f32 to vector<16xf32>
        %select_n3A_170 = arith.select %lt3A_166, %convert_element_type3A_167, %broadcast_in_dim3A_169 : vector<16xi1>, vector<16xf32>
        %reduce_sum3A = arith.constant true
        %reduce_sum3A_171 = vector.broadcast %reduce_sum3A : i1 to vector<16xi1>
        %reduce_sum3A_172 = tpu.scan <sum>, %select_n3A_170 masked %reduce_sum3A_171 : vector<16xf32>, vector<16xi1> -> vector<16xf32>
        %reduce_sum3A_173 = vector.extract %reduce_sum3A_172[15] : f32 from vector<16xf32>
        %mul3A_174 = arith.constant 1.000000e-01 : f32
        %mul3A_175 = arith.mulf %reduce_sum3A_173, %mul3A_174 : f32
        %broadcast_in_dim3A_176 = arith.constant 0 : i32
        %broadcast_in_dim3A_177 = vector.broadcast %broadcast_in_dim3A_176 : i32 to vector<16xi32>
        %lt3A_178 = arith.constant 0 : i32
        %lt3A_179 = vector.broadcast %lt3A_178 : i32 to vector<16xi32>
        %lt3A_180 = arith.cmpi slt, %broadcast_in_dim3A_177, %lt3A_179 : vector<16xi32>
        %add3A_181 = arith.constant 16 : i32
        %add3A_182 = vector.broadcast %add3A_181 : i32 to vector<16xi32>
        %add3A_183 = arith.addi %broadcast_in_dim3A_177, %add3A_182 : vector<16xi32>
        %select_n3A_184 = arith.select %lt3A_180, %add3A_183, %broadcast_in_dim3A_177 : vector<16xi1>, vector<16xi32>
        %broadcast_in_dim3A_185 = vector.shape_cast %select_n3A_184 : vector<16xi32> to vector<16x1xi32>
        %gather3A_186 = vector.shape_cast %broadcast_in_dim3A_185 : vector<16x1xi32> to vector<16xi32>
        %gather3A_187 = tpu.dynamic_gather %convert_element_type3A_167[%gather3A_186] in [0] : vector<16xf32>, vector<16xi32> -> vector<16xf32>
        %mul3A_188 = arith.mulf %while3A_163#0, %while3A_163#0 : vector<16xf32>
        %jit3A_189 = arith.constant 0.000000e+00 : f32
        %broadcast_in_dim3A_190 = vector.broadcast %jit3A_189 : f32 to vector<16xf32>
        %select_n3A_191 = arith.select %lt3A_166, %mul3A_188, %broadcast_in_dim3A_190 : vector<16xi1>, vector<16xf32>
        %reduce_sum3A_192 = arith.constant true
        %reduce_sum3A_193 = vector.broadcast %reduce_sum3A_192 : i1 to vector<16xi1>
        %reduce_sum3A_194 = tpu.scan <sum>, %select_n3A_191 masked %reduce_sum3A_193 : vector<16xf32>, vector<16xi1> -> vector<16xf32>
        %reduce_sum3A_195 = vector.extract %reduce_sum3A_194[15] : f32 from vector<16xf32>
        %mul3A_196 = arith.constant 1.000000e-01 : f32
        %mul3A_197 = arith.mulf %reduce_sum3A_195, %mul3A_196 : f32
        %max3A_198 = arith.constant 1.000000e-30 : f32
        %max3A_199 = arith.maximumf %mul3A_197, %max3A_198 : f32
        %bitcast_convert_type3A = arith.bitcast %max3A_199 : f32 to i32
        %shift_right_arithmetic3A = arith.constant 1 : i32
        %shift_right_arithmetic3A_200 = arith.shrsi %bitcast_convert_type3A, %shift_right_arithmetic3A : i32
        %sub3A_201 = arith.constant 1597463007 : i32
        %sub3A_202 = arith.subi %sub3A_201, %shift_right_arithmetic3A_200 : i32
        %bitcast_convert_type3A_203 = arith.bitcast %sub3A_202 : i32 to f32
        %mul3A_204 = arith.constant 5.000000e-01 : f32
        %mul3A_205 = arith.mulf %mul3A_204, %max3A_199 : f32
        %mul3A_206 = arith.mulf %mul3A_205, %bitcast_convert_type3A_203 : f32
        %mul3A_207 = arith.mulf %mul3A_206, %bitcast_convert_type3A_203 : f32
        %sub3A_208 = arith.constant 1.500000e+00 : f32
        %sub3A_209 = arith.subf %sub3A_208, %mul3A_207 : f32
        %mul3A_210 = arith.mulf %bitcast_convert_type3A_203, %sub3A_209 : f32
        %mul3A_211 = arith.mulf %mul3A_205, %mul3A_210 : f32
        %mul3A_212 = arith.mulf %mul3A_211, %mul3A_210 : f32
        %sub3A_213 = arith.constant 1.500000e+00 : f32
        %sub3A_214 = arith.subf %sub3A_213, %mul3A_212 : f32
        %mul3A_215 = arith.mulf %mul3A_210, %sub3A_214 : f32
        %mul3A_216 = arith.mulf %mul3A_205, %mul3A_215 : f32
        %mul3A_217 = arith.mulf %mul3A_216, %mul3A_215 : f32
        %sub3A_218 = arith.constant 1.500000e+00 : f32
        %sub3A_219 = arith.subf %sub3A_218, %mul3A_217 : f32
        %mul3A_220 = arith.mulf %mul3A_215, %sub3A_219 : f32
        %mul3A_221 = arith.mulf %max3A_199, %mul3A_220 : f32
        %mul3A_222 = arith.constant 16 : i32
        %mul3A_223 = arith.muli %add3A_59, %mul3A_222 : i32
        %add3A_224 = arith.addi %mul3A_223, %scan3A_68 : i32
        %eq3A = arith.constant 0 : i32
        %eq3A_225 = vector.broadcast %eq3A : i32 to vector<16xi32>
        %eq3A_226 = arith.cmpi eq, %iota3A, %eq3A_225 : vector<16xi32>
        %eq3A_227 = arith.constant 1 : i32
        %eq3A_228 = vector.broadcast %eq3A_227 : i32 to vector<16xi32>
        %eq3A_229 = arith.cmpi eq, %iota3A, %eq3A_228 : vector<16xi32>
        %broadcast_in_dim3A_230 = vector.broadcast %mul3A_221 : f32 to vector<16xf32>
        %select_n3A_231 = arith.select %eq3A_229, %gather3A_187, %broadcast_in_dim3A_230 : vector<16xi1>, vector<16xf32>
        %broadcast_in_dim3A_232 = vector.broadcast %mul3A_175 : f32 to vector<16xf32>
        %select_n3A_233 = arith.select %eq3A_226, %broadcast_in_dim3A_232, %select_n3A_231 : vector<16xi1>, vector<16xf32>
        %mul3A_234 = arith.constant 3 : i32
        %mul3A_235 = arith.muli %add3A_224, %mul3A_234 : i32
        %swap3A_236 = arith.index_cast %mul3A_235 : i32 to index
        %swap3A_237 = tpu.vector_load %arg10[%swap3A_236] masked %lt3A_4 {strides = array<i32>} : memref<1552xf32, #tpu.memory_space<vmem>>, vector<16xf32>, vector<16xi1>
        tpu.vector_store %arg10[%swap3A_236], %select_n3A_233 masked %lt3A_4 {strides = array<i32>} : memref<1552xf32, #tpu.memory_space<vmem>>, vector<16xf32>, vector<16xi1>
        %scan3A_238 = arith.constant 0 : i32
        scf.yield %scan3A_238 : i32
      }
      %scan3A_66 = arith.constant 16 : i32
      %scan3A_67 = arith.constant 0 : i32
      scf.yield %scan3A_67 : i32
    }
    %scan3A_15 = arith.constant 16 : i32
    %mul3A_16 = arith.constant 3 : i32
    %mul3A_17 = arith.muli %mul3A_2, %mul3A_16 : i32
    "tpu.region"() ({
      %run_scoped3A = tpu.sem_alloc : memref<!tpu.dma_semaphore, #tpu.memory_space<semaphore_mem>>
      %dma_start3A_18 = arith.constant 0 : i32
      %dma_start3A_19 = tpu.memref_slice %arg10[%dma_start3A_18] : memref<1552xf32, #tpu.memory_space<vmem>> -> memref<1536xf32, #tpu.memory_space<vmem>>
      %dma_start3A_20 = tpu.memref_slice %arg3[%mul3A_17] : memref<49152xf32, #tpu.memory_space<hbm>> -> memref<1536xf32, #tpu.memory_space<hbm>>
      %dma_start3A_21 = tpu.memref_slice %arg3[%mul3A_17] : memref<49152xf32, #tpu.memory_space<hbm>> -> memref<1536xf32, #tpu.memory_space<hbm>>
      %dma_start3A_22 = arith.constant 0 : i32
      %dma_start3A_23 = tpu.memref_slice %arg10[%dma_start3A_22] : memref<1552xf32, #tpu.memory_space<vmem>> -> memref<1536xf32, #tpu.memory_space<vmem>>
      tpu.enqueue_dma source(%dma_start3A_23 : memref<1536xf32, #tpu.memory_space<vmem>>) target(%dma_start3A_21 : memref<1536xf32, #tpu.memory_space<hbm>>) target_semaphore(%run_scoped3A : memref<!tpu.dma_semaphore, #tpu.memory_space<semaphore_mem>>)
      %dma_wait3A = arith.constant 0 : i32
      %dma_wait3A_24 = tpu.memref_slice %arg10[%dma_wait3A] : memref<1552xf32, #tpu.memory_space<vmem>> -> memref<1536xf32, #tpu.memory_space<vmem>>
      %dma_wait3A_25 = tpu.memref_slice %arg3[%mul3A_17] : memref<49152xf32, #tpu.memory_space<hbm>> -> memref<1536xf32, #tpu.memory_space<hbm>>
      %dma_wait3A_26 = tpu.memref_slice %arg3[%mul3A_17] : memref<49152xf32, #tpu.memory_space<hbm>> -> memref<1536xf32, #tpu.memory_space<hbm>>
      %dma_wait3A_27 = arith.constant 0 : i32
      %dma_wait3A_28 = tpu.memref_slice %arg10[%dma_wait3A_27] : memref<1552xf32, #tpu.memory_space<vmem>> -> memref<1536xf32, #tpu.memory_space<vmem>>
      tpu.wait_dma2 semaphore(%run_scoped3A : memref<!tpu.dma_semaphore, #tpu.memory_space<semaphore_mem>>) src(%dma_wait3A_28 : memref<1536xf32, #tpu.memory_space<vmem>>) dst(%dma_wait3A_26 : memref<1536xf32, #tpu.memory_space<hbm>>)
      tpu.yield
    }) : () -> ()
    return
  }
}

</mosaic_0001>

<sc_bundles>
// kernel: kernel.3.cloned.1.call-start
scs
__scs_entry_jumppad:
0x0: {  	(pc) =	sbr.rel $0x88, $3  }
0x1: {  	(tag) =	ssettag $0x0;
	lr =	simm.s32 $0x1  }
0x2: {  	[smem:$0x3FA0] =	sst lr;
	_ =	strace $0xD0000000  }
0x3: {  	_ = 	snop  }
0x4: {  	_ = 	snop  }
0x5: {  	_ = 	snop  }
0x6: {  	_ = 	snop  }
0x7: {  	_ = 	snop  }
__scs_overlays_trampoline_lowered:
0x8: {  	[smem:$0x3FAF] =	sst s0  }
0x9: {  	[smem:$0x3FB0] =	sst s1  }
0xa: {  	[smem:$0x3FB1] =	sst s2  }
0xb: {  	[smem:$0x3FB2] =	sst s3  }
0xc: {  	[smem:$0x3FB3] =	sst s4  }
0xd: {  	[smem:$0x3FB4] =	sst s5  }
0xe: {  	[smem:$0x3FB5] =	sst s6  }
0xf: {  	[smem:$0x3FB6] =	sst s7  }
0x10: {  	[smem:$0x3FB7] =	sst s8  }
0x11: {  	[smem:$0x3FB8] =	sst s9;
	s0 =	simm.s32 @!p0 $0x0  }
0x12: {  	s1 =	sld [smem:$0x3F9E];
	s0 =	simm.s32 @p0 $0x1  }
0x13: {  	[smem:$0x3FB9] =	sst s0;
	s0 =	simm.s32 @!p1 $0x0  }
0x14: {  	s2 =	sld [smem:$0x3F9D];
	s0 =	simm.s32 @p1 $0x1  }
0x15: {  	[smem:$0x3FBA] =	sst s0;
	s0 =	simm.s32 @!p2 $0x0  }
0x16: {  	s3 =	sld [smem:$0x3FDB];
	s0 =	simm.s32 @p2 $0x1  }
0x17: {  	s4 =	simm.s32 $0x1BF5;
	[smem:$0x3FBC] =	sst s0  }
0x18: {  	s0 =	sld [smem:$0x3F9F];
	_ =	swait.ge [sflag:s4], $0x0  }
0x19: {  	s7 =	sld [smem:$0x3FA0]  }
0x1a: {  	s8 =	sadd.s32 $0xFFFFE003, lr  }
0x1b: {  	s9 =	sadd.s32 $0xFFFFFEF7, lr;
	s5 =	simm.s32 $0xFFFFFFFF;
	p2 =	slt.u32 s8, $0xFFFFF086  }
0x1c: {  	p1 =	slt.u32 s9, $0xF7A;
	s5 =	simm.s32 @!p2 $0x0  }
0x1d: {  	s5 =	simm.s32 @p1 $0x1;
	p0 =	seq.s32 s7, s2  }
0x1e: {  	s7 =	smul.u32 @!p0 $0xF7A, s2;
	p2 =	seq.s32 @!p0 s5, $0x0  }
0x1f: {  	s9 =	smul.u32 $0xF7A, s1;
	s8 =	simm.s32 @!p0 $0x1BF5;
	p2 =	por !p2, p0  }
0x20: {  	[sflag:s8] =	ssyncset.s32 @!p0 $0xFFFFF086;
	s6 =	sadd.s32 @!p0 s3, s7;
	s7 =	simm.s32 @!p0 $0x108  }
0x21: {  	s3 =	sadd.s32 s3, s9;
	s6 =	sadd.s32 @!p0 $0x88, s6;
	s7 =	simm.s32 @p2 $0x1082  }
0x22: {  	[simem:s7], [sflag:s8] =	dma.local @!p0 [hbm:s6], $0xF7A  }
0x23: {  	s9 =	sor.u32 $0xD0000000, s2;
	s6 =	simm.s32 $0x108;
	_ =	swait.ge @!p0 [sflag:s8], $0x0  }
0x24: {  	s3 =	sadd.s32 $0x88, s3;
	s6 =	simm.s32 @!p1 $0x1082;
	[sflag:s4] =	ssyncset.s32 $0xFFFFF086  }
0x25: {  	[simem:s6], [sflag:s4] =	dma.local [hbm:s3], $0xF7A  }
0x26: {  	[smem:$0x3FA0] =	sst s1;
	(tag) =	ssettag s2;
	_ =	strace s9  }
0x27: {  	s1 =	sld [smem:$0x3FB0]  }
0x28: {  	s2 =	sld [smem:$0x3FB1]  }
0x29: {  	s4 =	sld [smem:$0x3FB3]  }
0x2a: {  	p0 =	seq.s32 s5, $0x0;
	s5 =	sld [smem:$0x3FB4]  }
0x2b: {  	s6 =	sld [smem:$0x3FB5]  }
0x2c: {  	s7 =	sld [smem:$0x3FB6]  }
0x2d: {  	s3 =	simm.s32 $0x108;
	s8 =	sld [smem:$0x3FB7]  }
0x2e: {  	s3 =	simm.s32 @!p0 $0x1082;
	s9 =	sld [smem:$0x3FB8]  }
0x2f: {  	lr =	sadd.s32 s0, s3;
	s0 =	sld [smem:$0x3FAF]  }
0x30: {  	s3 =	sld [smem:$0x3FB2]  }
0x31: {  	[smem:$0x3FBB] =	sst s10  }
0x32: {  	s10 =	sld [smem:$0x3FB9];
	_ =	sdelay $0x3  }
0x33: {  	p0 =	seq.s32 s10, $0x1;
	s10 =	sld [smem:$0x3FBB];
	_ =	sdelay $0x3  }
0x34: {  	[smem:$0x3FBB] =	sst s10  }
0x35: {  	s10 =	sld [smem:$0x3FBA];
	_ =	sdelay $0x3  }
0x36: {  	p1 =	seq.s32 s10, $0x1;
	s10 =	sld [smem:$0x3FBB];
	_ =	sdelay $0x3  }
0x37: {  	[smem:$0x3FBB] =	sst s10  }
0x38: {  	s10 =	sld [smem:$0x3FBC]  }
0x39: {  	_ = 	snop;
	(pc) =	sbr.ind lr, $3  }
0x3a: {  	_ = 	snop  }
0x3b: {  	_ = 	snop  }
0x3c: {  	p2 =	seq.s32 s10, $0x1;
	s10 =	sld [smem:$0x3FBB]  }
0x3d: {  	_ =	shalt  }
0x3e: {  	_ =	shalt  }
0x3f: {  	_ =	shalt  }
0x40: {  	_ =	shalt  }
0x41: {  	_ =	shalt  }
0x42: {  	_ =	shalt  }
0x43: {  	_ =	shalt  }
0x44: {  	_ =	shalt  }
0x45: {  	_ =	shalt  }
0x46: {  	_ =	shalt  }
0x47: {  	_ =	shalt  }
0x48: {  	_ =	shalt  }
0x49: {  	_ =	shalt  }
0x4a: {  	_ =	shalt  }
0x4b: {  	_ =	shalt  }
0x4c: {  	_ =	shalt  }
0x4d: {  	_ =	shalt  }
0x4e: {  	_ =	shalt  }
0x4f: {  	_ =	shalt  }
0x50: {  	_ =	shalt  }
0x51: {  	_ =	shalt  }
0x52: {  	_ =	shalt  }
0x53: {  	_ =	shalt  }
0x54: {  	_ =	shalt  }
0x55: {  	_ =	shalt  }
0x56: {  	_ =	shalt  }
0x57: {  	_ =	shalt  }
0x58: {  	_ =	shalt  }
0x59: {  	_ =	shalt  }
0x5a: {  	_ =	shalt  }
0x5b: {  	_ =	shalt  }
0x5c: {  	_ =	shalt  }
0x5d: {  	_ =	shalt  }
0x5e: {  	_ =	shalt  }
0x5f: {  	_ =	shalt  }
0x60: {  	_ =	shalt  }
0x61: {  	_ =	shalt  }
0x62: {  	_ =	shalt  }
0x63: {  	_ =	shalt  }
0x64: {  	_ =	shalt  }
0x65: {  	_ =	shalt  }
0x66: {  	_ =	shalt  }
0x67: {  	_ =	shalt  }
0x68: {  	_ =	shalt  }
0x69: {  	_ =	shalt  }
0x6a: {  	_ =	shalt  }
0x6b: {  	_ =	shalt  }
0x6c: {  	_ =	shalt  }
0x6d: {  	_ =	shalt  }
0x6e: {  	_ =	shalt  }
0x6f: {  	_ =	shalt  }
0x70: {  	_ =	shalt  }
0x71: {  	_ =	shalt  }
0x72: {  	_ =	shalt  }
0x73: {  	_ =	shalt  }
0x74: {  	_ =	shalt  }
0x75: {  	_ =	shalt  }
0x76: {  	_ =	shalt  }
0x77: {  	_ =	shalt  }
0x78: {  	_ =	shalt  }
0x79: {  	_ =	shalt  }
0x7a: {  	_ =	shalt  }
0x7b: {  	_ =	shalt  }
0x7c: {  	_ =	shalt  }
0x7d: {  	_ =	shalt  }
0x7e: {  	_ =	shalt  }
0x7f: {  	_ =	shalt  }
0x80: {  	_ =	shalt  }
0x81: {  	_ =	shalt  }
0x82: {  	_ =	shalt  }
0x83: {  	_ =	shalt  }
0x84: {  	_ =	shalt  }
0x85: {  	_ =	shalt  }
0x86: {  	_ =	shalt  }
0x87: {  	_ =	shalt  }
.Lfunc_end0:
.L_simem_size_0:
called_computation_lowered:
.L_overlay_start_0:
0x88: {  	s2 =	sld [smem:$0x3FD9]  }
0x89: {  	s3 =	sld [smem:$0x3FFE];
	_ =	sdelay $0x1  }
0x8a: {  	s1 =	srdreg.scid  }
0x8b: {  	s0 =	sand.u32 $0x1, s1  }
0x8c: {  	s18 =	sshll.u32 s0, $0xA;
	s2 =	sadd.s32 s3, s2  }
0x8d: {  	s2 =	sadd.s32 s2, s18  }
0x8e: {  	[smem:$0x3FC7] =	sst s2  }
0x8f: {  	_ = 	snop  }
0x90: {  	s2 =	sld [smem:$0x3FC9]  }
0x91: {  	s19 =	sld [smem:$0x3FD0];
	(tm) =	ssettm $0x1  }
0x92: {  	s4 =	sld [smem:$0x3FFB];
	_ =	sdelay $0x3  }
0x93: {  	_ =	strace s4  }
0x94: {  	s4 =	sld [smem:$0x3FFC];
	_ =	sdelay $0x3  }
0x95: {  	_ =	strace s4  }
0x96: {  	s4 =	sld [smem:$0x3FFD];
	_ =	sdelay $0x3  }
0x97: {  	_ =	strace s4  }
0x98: {  	_ =	strace $0x8FFFFFFF  }
0x99: {  	s20 =	sld [smem:$0x3FDB];
	_ =	sdelay $0x1  }
0x9a: {  	s5 =	simm.s32 $_scs_section_size  }
0x9b: {  	s6 =	simm.s32 $_size__tile_overlayer_lowered;
	s7 =	simm.s32 $_tile_overlayer_lowered  }
0x9c: {  	s23 =	simm.s32 $0x1BFF;
	s22 =	sshll.u32 s7, $0x1;
	s4 =	sadd.s32 s5, s20  }
0x9d: {  	s8 =	simm.s32 $0x0;
	s21 =	sshll.u32 s6, $0x1;
	s6 =	sadd.s32 s22, s4  }
0x9e: {  	[timem:s8], [sflag:s23] =	dma.local [hbm:s6], s21  }
0x9f: {  	_ =	swait.ge [sflag:s23], s21  }
0xa0: {  	s5 =	ssub.s32 $0x0, s21;
	[sflag:s23] =	ssyncset.done $0x0  }
0xa1: {  	[sflag:s23] =	ssyncadd.s32 s5;
	_ =	sdelay $0x1  }
0xa2: {  	s24 =	simm.s32 $0x1B8B  }
0xa3: {  	_ =	swait.ge [sflag:s24], $0x1  }
0xa4: {  	[sflag:s24] =	ssyncset.done $0x0  }
0xa5: {  	s25 =	simm.s32 $0x1B8E;
	[sflag:s24] =	ssyncadd.s32 $0xFFFFFFFF  }
0xa6: {  	s26 =	simm.s32 $execute0_lowered;
	[smem:$0x3FD2] =	sst s25  }
0xa7: {  	s5 =	sshll.u32 s26, $0x1;
	_ =	strace $0x80000046;
	[dreg:$0x1] =	wrdreg $0xFFFFFFFF  }
0xa8: {  	s28 =	simm.s32 $_size_execute0_lowered;
	s4 =	sadd.s32 s4, s5;
	[dreg:$0x0] =	wrdreg $0x0  }
0xa9: {  	s5 =	sshll.u32 s28, $0x1;
	[dreg:$0x2] =	wrdreg s4  }
0xaa: {  	[dreg:$0x3] =	wrdreg s5  }
0xab: {  	[dreg:$0x4] =	wrdreg $0xC0  }
0xac: {  	_ =	task [dreg:s8], $0x5FFFF  }
0xad: {  	[dreg:$0x1] =	wrdreg $0xFFFFFFFF  }
0xae: {  	[dreg:$0x0] =	wrdreg $0x60  }
0xaf: {  	[dreg:$0x2] =	wrdreg s2  }
0xb0: {  	[dreg:$0x3] =	wrdreg s19  }
0xb1: {  	[dreg:$0x4] =	wrdreg $0x9  }
0xb2: {  	_ =	task.clear_ibuf [dreg:s8], $0x5FFFF;
	_ =	strace $0x90000046  }
0xb3: {  	s29 =	simm.s32 $0x9;
	_ =	strace $0x80000048  }
0xb4: {  	_ =	swait.ge [sflag:s29], $0x1  }
0xb5: {  	[sflag:s29] =	ssyncadd.s32 $0xFFFFFFFF  }
0xb6: {  	_ =	strace $0x90000048  }
0xb7: {  	_ =	sfence  }
0xb8: {  	s30 =	sld [smem:$0x0];
	_ =	sdelay $0x2  }
0xb9: {  	s31 =	sshll.u32 s1, $0xD;
	s1 =	sshrl.u32 s1, $0x2  }
0xba: {  	s3 =	sand.u32 $0x4000, s31;
	s1 =	sadd.s32 s1, s30  }
0xbb: {  	s0 =	sor.u32 s3, s0;
	s1 =	sshll.u32 s1, $0x11  }
0xbc: {  	s0 =	sor.u32 s1, s0  }
0xbd: {  	s0 =	sadd.s32 $0x8F2B, s0  }
0xbe: {  	[sflag:s0] =	ssyncadd.remote.s32 $0x1  }
0xbf: {  	_ =	sfence.sel $0xFFFF  }
0xc0: {  	[dreg:$0x0] =	wrdreg $0xFFFFFFFF;
	(pc) =	sbr.abs _section_cstart, $3  }
0xc1: {  	[dreg:$0x1] =	wrdreg $0xFFFFFFFF  }
0xc2: {  	_ =	task.clear_ibuf [dreg:s8], $0x2FFFF;
	_ =	strace $0x9FFFFFFF  }
0xc3: {  	(tm) =	ssettm $0x7FFFFFFF  }
tec
execute0_lowered:
.L_overlay_start_1:
0x0: {  	(tag) =	ssettag $0x1  }
0x1: {  	s2 =	rddreg [dreg:$0x0]  }
0x2: {  	s1 =	srdreg.scid;
	s0 =	stileid.u32  }
0x3: {  	s7 =	rddreg [dreg:$0x1];
	s10 =	simm.s32 $0x1;
	s11 =	simm.s32 $0x14000  }
0x4: {  	s12 =	simm.s32 $0x14A80;
	s13 =	simm.s32 $0x2;
	s14 =	simm.s32 $0x16A00  }
0x5: {  	s15 =	simm.s32 $0x3;
	s4 =	sand.u32 $0x1, s1;
	s3 =	sshll.u32 s0, $0x1  }
0x6: {  	s16 =	simm.s32 $0x0;
	s1 =	rddreg [dreg:$0x2];
	s5 =	sor.u32 s4, s3  }
.Ltmp0:
0x7: {  	s3 =	simm.s32 $0x0;
	s4 =	ssub.s32 $0x2, s4;
	(pc) =	sbr.rel .LBB2_1-.Ltmp0, $4  }
0x8: {  	s6 =	smul.u32 $0x28000, s5;
	[smem:$0x7FF] =	sst s3;
	s8 =	sshrl.u32 s4, $0x1  }
0x9: {  	s9 =	smul.u32 $0xC0, s5;
	s8 =	ssub.s32 s4, s8;
	s4 =	sshll.u32 s5, $0x9  }
0xa: {  	v0 =	vimm.s32 $0x6;
	v1 =	vlaneseq.u32;
	_ =	strace $0x80000047;
	s5 =	sadd.s32 s2, s6;
	s6 =	sor.u32 $0x20, s4  }
0xb: {  	v2 =	vimm.s32 $0x0;
	vm0 =	vcmask $0x2700;
	vm1 =	vmmov $0x3ff;
	s7 =	sadd.s32 s7, s9;
	s8 =	smax.u32 s8, $0x1;
	s9 =	simm.s32 $0xA000  }
.LBB2_47:
0xc: {  	s16 =	sadd.s32 $0x1, s16  }
0xd: {  	p0 =	sne.s32 s16, s8  }
.Ltmp1:
0xe: {  	_ = 	snop;
	(pc) =	sbr.rel @!p0 .LBB2_48-.Ltmp1, $4  }
0xf: {  	[hbm4b:s7+s3] =	stream.linear.scatter [tilespmem:s14], [sflag:$0x3], $0x600, $0x38;
	[tilespmem:$0x17080] =	vst v63  }
0x10: {  	_ =	swait.ge [sflag:s15], $0x600  }
0x11: {  	[sflag:s15] =	ssyncset.done $0x0  }
0x12: {  	[sflag:s15] =	ssyncadd.s32 $0xFFFFFA00  }
.LBB2_1:
.Ltmp2:
0x13: {  	(pc) =	sbr.rel .LBB2_2-.Ltmp2, $3  }
0x14: {  	_ =	sdelay $0x1  }
0x15: {  	[tilespmem:s3], [sflag:$0x1] =	stream.linear.gather [hbm4b:s5+s3], $0xA000, $0x38;
	[tilespmem:$0x17080] =	vst v63  }
0x16: {  	s17 =	simm.s32 $0x0  }
.LBB2_46:
0x17: {  	s17 =	sadd.s32 $0x1, s17  }
0x18: {  	p0 =	sne.s32 s17, $0x10  }
.Ltmp3:
0x19: {  	_ = 	snop;
	(pc) =	sbr.rel @!p0 .LBB2_47-.Ltmp3, $1  }
0x1a: {  	_ =	sdelay $0x3  }
.LBB2_2:
0x1b: {  	s19 =	sshll.u32 s17, $0x5  }
0x1c: {  	s18 =	sor.u32 $0x10, s19  }
0x1d: {  	s20 =	sor.u32 s4, s18  }
0x1e: {  	s20 =	sshrl.u32 s20, $0x3  }
0x1f: {  	s20 =	smul.u32 $0xA00, s20;
	_ =	sdelay $0x1  }
.Ltmp4:
0x20: {  	s21 =	sadd.s32 s2, s20;
	s20 =	simm.s32 $0x0;
	(pc) =	sbr.rel .LBB2_3-.Ltmp4, $4  }
0x21: {  	[tilespmem:s9], [sflag:$0x2] =	stream.linear.gather [hbm4b:s21+s20], $0xA000, $0x38;
	[tilespmem:$0x17080] =	vst v63  }
0x22: {  	_ =	swait.ge [sflag:s10], $0xA000  }
0x23: {  	[sflag:s10] =	ssyncset.done $0x0  }
0x24: {  	s21 =	simm.s32 $0x0;
	[sflag:s10] =	ssyncadd.s32 $0xFFFF6000  }
.LBB2_15:
0x25: {  	v3 =	vimm.f32 $0.0e+00  }
0x26: {  	v4 =	vsel vm0, $0x7F800000, v3  }
.LBB2_23:
0x27: {  	v5 =	vnsel vm1, $0x0, v3  }
0x28: {  	(xrf2) =	vadd.scan.msk.f32 $0xffff, v5  }
0x29: {  	(xrf2) =	vadd.scan.msk.f32 $0xffff, v4;
	_ =	sdelay $0x8  }
0x2a: {  	v62, _, _ =	vpop (xrf2)  }
0x2b: {  	(v2sf) =	vpush v62, $0xF;
	v63, _, _ =	vpop (xrf2)  }
0x2c: {  	(v2sf) =	vpush v63, $0xF;
	_ =	sdelay $0xd  }
0x2d: {  	s22 =	spop (v2sf)  }
0x2e: {  	s23 =	spop (v2sf)  }
0x2f: {  	s23 =	smul.f32 $1.000000010e-01, s23;
	_ =	sdelay $0x1  }
0x30: {  	s23 =	smax.f32 s23, $1.000000000e-30  }
0x31: {  	s24 =	sshra.s32 s23, $0x1;
	s25 =	smul.f32 $5.000000000e-01, s23  }
0x32: {  	s24 =	ssub.s32 $0x5F3759DF, s24  }
0x33: {  	s26 =	smul.f32 s24, s25;
	_ =	sdelay $0x1  }
0x34: {  	s26 =	smul.f32 s24, s26;
	_ =	sdelay $0x1  }
0x35: {  	s26 =	ssub.f32 $1.500000000e+00, s26;
	_ =	sdelay $0x1  }
0x36: {  	s24 =	smul.f32 s24, s26;
	_ =	sdelay $0x1  }
0x37: {  	s26 =	smul.f32 s24, s25;
	_ =	sdelay $0x1  }
0x38: {  	s26 =	smul.f32 s26, s24;
	_ =	sdelay $0x1  }
0x39: {  	s26 =	ssub.f32 $1.500000000e+00, s26;
	_ =	sdelay $0x1  }
0x3a: {  	s24 =	smul.f32 s26, s24;
	_ =	sdelay $0x1  }
0x3b: {  	s25 =	smul.f32 s24, s25;
	_ =	sdelay $0x1  }
0x3c: {  	s25 =	smul.f32 s25, s24;
	_ =	sdelay $0x1  }
0x3d: {  	s25 =	ssub.f32 $1.500000000e+00, s25;
	_ =	sdelay $0x1  }
0x3e: {  	s24 =	smul.f32 s25, s24  }
0x3f: {  	s30 =	sadd.s32 s19, s21;
	s21 =	sadd.s32 $0x1, s21;
	s22 =	smul.f32 $1.000000010e-01, s22  }
0x40: {  	p0 =	sne.s32 s21, $0x10;
	s23 =	smul.f32 s24, s23  }
.Ltmp5:
0x41: {  	v3 =	vperm.xlane v3, v2;
	(pc) =	sbr.rel @!p0 .LBB2_24-.Ltmp5, $4  }
0x42: {  	vm2 =	veq.s32 v1, $0x0;
	s24 =	smul.u32 $0xC, s30  }
0x43: {  	v3 =	vsel vm2, s22, v3;
	vm2 =	veq.s32 v1, $0x2  }
0x44: {  	v3 =	vsel vm2, s23, v3;
	s31 =	sshra.s32 s24, $0x2  }
0x45: {  	s20 =	sadd.s32 $0x1, s20;
	[tilespmem:s31+$0x16A00] =	vst.msk $0x7, v3  }
.LBB2_3:
0x46: {  	s22 =	sshrl.u32 s21, $0x3  }
0x47: {  	s23 =	sand.u32 $0x7, s20;
	s22 =	smul.u32 $0x14000, s22  }
0x48: {  	s23 =	sshll.u32 s23, $0x9  }
0x49: {  	s22 =	sor.u32 s23, s22  }
0x4a: {  	s22 =	sshra.s32 s22, $0x2  }
0x4b: {  	s22 =	sor.u32 $0x40, s22  }
0x4c: {  	v6 =	vld [tilespmem:s22+$0x10]  }
0x4d: {  	v4 =	vld [tilespmem:s22+$0xFFFFFFC0]  }
0x4e: {  	v5 =	vld [tilespmem:s22+$0xFFFFFFD0]  }
0x4f: {  	v7 =	vld [tilespmem:s22+$0xFFFFFFE0]  }
0x50: {  	v8 =	vld [tilespmem:s22+$0xFFFFFFF0]  }
0x51: {  	v9 =	vimm.f32 $-Inf;
	v10 =	vld [tilespmem:s22+$0x0]  }
0x52: {  	s23 =	sadd.s32 $0x400, s22;
	v12 =	vld [tilespmem:s22+$0x20];
	v11 =	vmin.f32 v9, v4;
	v4 =	vmax.f32 v9, v4  }
0x53: {  	v3 =	vld [tilespmem:s23+$0x10];
	v9 =	vmax.f32 v9, v11;
	v11 =	vmin.f32 v4, v5;
	v4 =	vmax.f32 v4, v5  }
0x54: {  	v5 =	vmax.f32 v9, v11;
	v9 =	vmin.f32 v4, v7;
	v4 =	vmax.f32 v4, v7;
	v11 =	vld [tilespmem:s22+$0x30]  }
0x55: {  	v7 =	vld [tilespmem:s23+$0xFFFFFFC0];
	v5 =	vmax.f32 v5, v9;
	v9 =	vmin.f32 v4, v8;
	v8 =	vmax.f32 v4, v8  }
0x56: {  	v4 =	vld [tilespmem:s23+$0xFFFFFFD0];
	v9 =	vmax.f32 v5, v9;
	v13 =	vmin.f32 v8, v10;
	v8 =	vmax.f32 v8, v10  }
0x57: {  	v5 =	vld [tilespmem:s23+$0xFFFFFFE0];
	v9 =	vmax.f32 v9, v13;
	v10 =	vmin.f32 v8, v6;
	v8 =	vmax.f32 v8, v6  }
0x58: {  	v6 =	vld [tilespmem:s23+$0xFFFFFFF0];
	v9 =	vmax.f32 v9, v10;
	v10 =	vmin.f32 v8, v12;
	v12 =	vmax.f32 v8, v12  }
0x59: {  	s24 =	simm.s32 $0x8;
	s25 =	sadd.s32 $0x400, s23;
	v8 =	vld [tilespmem:s23+$0x0];
	v9 =	vmax.f32 v9, v10;
	v10 =	vmin.f32 v12, v11;
	v11 =	vmax.f32 v12, v11  }
.LBB2_4:
0x5a: {  	v12 =	vld [tilespmem:s25+$0x10];
	s24 =	sadd.s32 $0x8, s24;
	v13 =	vmin.f32 v11, v7;
	v7 =	vmax.f32 v11, v7;
	v9 =	vmax.f32 v9, v10  }
0x5b: {  	p0 =	slt.u32 s24, $0x98;
	v9 =	vmax.f32 v9, v13;
	v10 =	vmin.f32 v7, v4;
	v4 =	vmax.f32 v7, v4;
	v11 =	vld [tilespmem:s23+$0x20]  }
0x5c: {  	v9 =	vmax.f32 v9, v10;
	v10 =	vmin.f32 v4, v5;
	v4 =	vmax.f32 v4, v5;
	v13 =	vld [tilespmem:s23+$0x30];
	s23 =	smov.u32 s25  }
.Ltmp6:
0x5d: {  	v7 =	vld [tilespmem:s25+$0xFFFFFFC0];
	v5 =	vmax.f32 v9, v10;
	v9 =	vmin.f32 v4, v6;
	v6 =	vmax.f32 v4, v6;
	(pc) =	sbr.rel @p0 .LBB2_4-.Ltmp6, $4  }
0x5e: {  	v4 =	vld [tilespmem:s25+$0xFFFFFFD0];
	v9 =	vmax.f32 v5, v9;
	v10 =	vmin.f32 v6, v8;
	v6 =	vmax.f32 v6, v8  }
0x5f: {  	v5 =	vld [tilespmem:s25+$0xFFFFFFE0];
	v8 =	vmax.f32 v9, v10;
	v9 =	vmin.f32 v6, v3;
	v10 =	vmax.f32 v6, v3;
	v3 =	vmovc v12  }
0x60: {  	v6 =	vld [tilespmem:s25+$0xFFFFFFF0];
	v9 =	vmax.f32 v8, v9;
	v12 =	vmin.f32 v10, v11;
	v11 =	vmax.f32 v10, v11  }
0x61: {  	s25 =	sadd.s32 $0x400, s25;
	v8 =	vld [tilespmem:s23+$0x0];
	v9 =	vmax.f32 v9, v12;
	v10 =	vmin.f32 v11, v13;
	v11 =	vmax.f32 v11, v13  }
0x62: {  	v12 =	vmax.f32 v11, v7  }
0x63: {  	v7 =	vmin.f32 v11, v7;
	v9 =	vmax.f32 v9, v10;
	v61 =	vld [tilespmem:s23+$0x20];
	v60 =	vmax.f32 v12, v4  }
0x64: {  	v63 =	vld [tilespmem:s23+$0x30];
	v7 =	vmax.f32 v9, v7;
	v4 =	vmin.f32 v12, v4;
	v62 =	vmax.f32 v60, v5  }
0x65: {  	v4 =	vmax.f32 v7, v4;
	v5 =	vmin.f32 v60, v5;
	v7 =	vmax.f32 v62, v6  }
0x66: {  	v4 =	vmax.f32 v4, v5;
	v5 =	vmin.f32 v62, v6;
	v6 =	vmax.f32 v7, v8  }
0x67: {  	v4 =	vmax.f32 v4, v5;
	v5 =	vmin.f32 v7, v8;
	v7 =	vmax.f32 v6, v3  }
0x68: {  	v4 =	vmax.f32 v4, v5;
	v3 =	vmin.f32 v6, v3;
	v5 =	vmax.f32 v7, v61  }
0x69: {  	v3 =	vmax.f32 v4, v3;
	v4 =	vmin.f32 v7, v61;
	v6 =	vmax.f32 v5, v63  }
0x6a: {  	v3 =	vmax.f32 v3, v4;
	v4 =	vmin.f32 v5, v63;
	(xrf1) =	vsort.ascd.msk.f32 $0xffff, v6, v6  }
0x6b: {  	v3 =	vmax.f32 v3, v4  }
0x6c: {  	(xrf1) =	vsort.ascd.msk.f32 $0xffff, v3, v3;
	_ =	sdelay $0x8  }
0x6d: {  	v4 =	vlaneseq.u32  }
0x6e: {  	v3 =	vmul.u32 $0xFFFFFFFF, v4;
	_ =	sdelay $0x1  }
0x6f: {  	v3 =	vadd.s32 $0xF, v3;
	v5, _, _ =	vpop (xrf1)  }
0x70: {  	v3 =	vperm.xlane v5, v3  }
0x71: {  	v5, _, _ =	vpop (xrf1)  }
0x72: {  	v3 =	vmax.f32 v3, v5  }
0x73: {  	(xrf1) =	vsort.ascd.msk.f32 $0xffff, v3, v3;
	_ =	sdelay $0xd  }
0x74: {  	v3, _, _ =	vpop (xrf1)  }
0x75: {  	s23 =	simm.s32 $0xFFFFFFF8;
	v5 =	vimm.s32 $0x0;
	v3 =	vperm.xlane v3, v0  }
.LBB2_6:
0x76: {  	v6 =	vld [tilespmem:s22+$0xFFFFFFC0];
	v7 =	vadd.s32 v1, v5;
	_ =	sdelay $0x4  }
0x77: {  	vm2 =	vge.f32 v6, v3;
	[tilespmem:v7+s11+$0x0] =	vst.idx.msk $0xffff, v6  }
0x78: {  	v6 =	vmpcnt.ones.xlane vm2;
	[tilespmem:v7+s12+$0x0] =	vst.idx.msk $0xffff, v4  }
0x79: {  	v7 =	vld [tilespmem:s22+$0xFFFFFFD0]  }
0x7a: {  	vm2 =	vlt.s32 v6, $0x1  }
0x7b: {  	v6 =	vnsel vm2, $0x1, v6  }
0x7c: {  	v6 =	vshll.u32 v6, $0x4  }
0x7d: {  	v5 =	vadd.s32 v5, v6  }
0x7e: {  	vm2 =	vge.f32 v7, v3;
	v6 =	vadd.s32 v1, v5  }
0x7f: {  	v8 =	vmpcnt.ones.xlane vm2;
	_ =	sdelay $0x1  }
0x80: {  	vm2 =	vlt.s32 v8, $0x1  }
0x81: {  	v8 =	vnsel vm2, $0x1, v8  }
0x82: {  	v9 =	vadd.s32 $0x10, v4;
	[tilespmem:v6+s11+$0x0] =	vst.idx.msk $0xffff, v7;
	v7 =	vshll.u32 v8, $0x4  }
0x83: {  	[tilespmem:v6+s12+$0x0] =	vst.idx.msk $0xffff, v9;
	v5 =	vadd.s32 v5, v7  }
0x84: {  	v6 =	vld [tilespmem:s22+$0xFFFFFFE0];
	v7 =	vadd.s32 v1, v5;
	_ =	sdelay $0x4  }
0x85: {  	v55 =	vadd.s32 $0x20, v4;
	vm2 =	vge.f32 v6, v3;
	[tilespmem:v7+s11+$0x0] =	vst.idx.msk $0xffff, v6  }
0x86: {  	v6 =	vmpcnt.ones.xlane vm2;
	[tilespmem:v7+s12+$0x0] =	vst.idx.msk $0xffff, v55  }
0x87: {  	v7 =	vld [tilespmem:s22+$0xFFFFFFF0]  }
0x88: {  	vm2 =	vlt.s32 v6, $0x1  }
0x89: {  	v6 =	vnsel vm2, $0x1, v6  }
0x8a: {  	v6 =	vshll.u32 v6, $0x4  }
0x8b: {  	v5 =	vadd.s32 v5, v6  }
0x8c: {  	vm2 =	vge.f32 v7, v3;
	v6 =	vadd.s32 v1, v5  }
0x8d: {  	v56 =	vmpcnt.ones.xlane vm2;
	_ =	sdelay $0x1  }
0x8e: {  	vm2 =	vlt.s32 v56, $0x1  }
0x8f: {  	v8 =	vnsel vm2, $0x1, v56  }
0x90: {  	v57 =	vadd.s32 $0x30, v4;
	[tilespmem:v6+s11+$0x0] =	vst.idx.msk $0xffff, v7;
	v7 =	vshll.u32 v8, $0x4  }
0x91: {  	[tilespmem:v6+s12+$0x0] =	vst.idx.msk $0xffff, v57;
	v5 =	vadd.s32 v5, v7  }
0x92: {  	v6 =	vld [tilespmem:s22+$0x0];
	v7 =	vadd.s32 v1, v5;
	_ =	sdelay $0x4  }
0x93: {  	v58 =	vadd.s32 $0x40, v4;
	vm2 =	vge.f32 v6, v3;
	[tilespmem:v7+s11+$0x0] =	vst.idx.msk $0xffff, v6  }
0x94: {  	v6 =	vmpcnt.ones.xlane vm2;
	[tilespmem:v7+s12+$0x0] =	vst.idx.msk $0xffff, v58  }
0x95: {  	v7 =	vld [tilespmem:s22+$0x10]  }
0x96: {  	vm2 =	vlt.s32 v6, $0x1  }
0x97: {  	v6 =	vnsel vm2, $0x1, v6  }
0x98: {  	v6 =	vshll.u32 v6, $0x4  }
0x99: {  	v5 =	vadd.s32 v5, v6  }
0x9a: {  	vm2 =	vge.f32 v7, v3;
	v6 =	vadd.s32 v1, v5  }
0x9b: {  	v59 =	vmpcnt.ones.xlane vm2;
	_ =	sdelay $0x1  }
0x9c: {  	vm2 =	vlt.s32 v59, $0x1  }
0x9d: {  	v8 =	vnsel vm2, $0x1, v59  }
0x9e: {  	v60 =	vadd.s32 $0x50, v4;
	[tilespmem:v6+s11+$0x0] =	vst.idx.msk $0xffff, v7;
	v7 =	vshll.u32 v8, $0x4  }
0x9f: {  	[tilespmem:v6+s12+$0x0] =	vst.idx.msk $0xffff, v60;
	v5 =	vadd.s32 v5, v7  }
0xa0: {  	v6 =	vld [tilespmem:s22+$0x20];
	v7 =	vadd.s32 v1, v5;
	_ =	sdelay $0x4  }
0xa1: {  	v61 =	vadd.s32 $0x60, v4;
	vm2 =	vge.f32 v6, v3;
	[tilespmem:v7+s11+$0x0] =	vst.idx.msk $0xffff, v6  }
0xa2: {  	v6 =	vmpcnt.ones.xlane vm2;
	[tilespmem:v7+s12+$0x0] =	vst.idx.msk $0xffff, v61  }
0xa3: {  	v7 =	vld [tilespmem:s22+$0x30]  }
0xa4: {  	vm2 =	vlt.s32 v6, $0x1  }
0xa5: {  	v6 =	vnsel vm2, $0x1, v6  }
0xa6: {  	v6 =	vshll.u32 v6, $0x4  }
0xa7: {  	v5 =	vadd.s32 v5, v6  }
0xa8: {  	s23 =	sadd.s32 $0x8, s23;
	vm2 =	vge.f32 v7, v3;
	v6 =	vadd.s32 v1, v5  }
0xa9: {  	p0 =	slt.u32 s23, $0x98;
	v62 =	vmpcnt.ones.xlane vm2  }
.Ltmp7:
0xaa: {  	_ = 	snop;
	(pc) =	sbr.rel @p0 .LBB2_6-.Ltmp7, $4  }
0xab: {  	vm2 =	vlt.s32 v62, $0x1  }
0xac: {  	v8 =	vnsel vm2, $0x1, v62  }
0xad: {  	v63 =	vadd.s32 $0x70, v4;
	[tilespmem:v6+s11+$0x0] =	vst.idx.msk $0xffff, v7;
	v7 =	vshll.u32 v8, $0x4  }
0xae: {  	v4 =	vadd.s32 $0x80, v4;
	s22 =	sadd.s32 $0x400, s22;
	[tilespmem:v6+s12+$0x0] =	vst.idx.msk $0xffff, v63;
	v5 =	vadd.s32 v5, v7  }
0xaf: {  	v4 =	vcvt.s32.f32 v5;
	_ =	sdelay $0x1  }
0xb0: {  	(xrf0) =	vmax.scan.msk.f32 $0xffff, v4;
	_ =	sdelay $0x5  }
0xb1: {  	v4, _, _ =	vpop (xrf0)  }
0xb2: {  	(v2sf) =	vpush v4, $0xF;
	_ =	sdelay $0xe  }
0xb3: {  	s22 =	spop (v2sf)  }
0xb4: {  	s22 =	smul.f32 $6.250000000e-02, s22;
	_ =	sdelay $0x1  }
0xb5: {  	s24 =	scvt.f32.s32 s22;
	_ =	sdelay $0x1  }
0xb6: {  	p0 =	slt.s32 s24, $0x1  }
.Ltmp8:
0xb7: {  	_ = 	snop;
	(pc) =	sbr.rel @p0 .LBB2_14-.Ltmp8, $2  }
0xb8: {  	_ =	sdelay $0x2  }
0xb9: {  	s22 =	simm.s32 $0x0  }
0xba: {  	p1 =	sne.s32 s24, $0x1  }
.Ltmp9:
0xbb: {  	_ = 	snop;
	(pc) =	sbr.rel @!p1 .LBB2_9-.Ltmp9, $3  }
0xbc: {  	_ =	sdelay $0x1  }
0xbd: {  	s25 =	simm.s32 $0x14000  }
0xbe: {  	s23 =	simm.s32 $0x14A80;
	s24 =	sadd.s32 $0xFFFFFFFF, s24;
	p0 =	por $0x0, $0x0;
	v4 =	vld [tilespmem:s25+$0x0]  }
0xbf: {  	_ =	sdelay $0x3  }
0xc0: {  	vm2 =	vge.f32 v4, v3  }
0xc1: {  	v5 =	vsel vm2, $0x1, v2  }
0xc2: {  	(xrf0) =	vadd.scan.msk.s32 $0xffff, v5;
	_ =	sdelay $0x3  }
0xc3: {  	v5 =	vld [tilespmem:s23+$0x0]  }
0xc4: {  	p1 =	sne.s32 s24, $0x1  }
.Ltmp10:
0xc5: {  	[tilespmem:s22+$0x15500] =	vst.msk vm2, v4;
	v4, _, _ =	vpop (xrf0);
	(pc) =	sbr.rel @!p1 .LBB2_11-.Ltmp10, $3  }
0xc6: {  	(v2sf) =	vpush v4, $0xF;
	_ =	sdelay $0x1  }
0xc7: {  	s26 =	simm.s32 $0x14010;
	s28 =	sadd.s32 $0xFFFFFFFF, s24;
	[tilespmem:s22+$0x15F80] =	vst.msk vm2, v5  }
0xc8: {  	p0 =	por $0x1, $0x1;
	s24 =	simm.s32 $0x14A80;
	s25 =	simm.s32 $0x0;
	v4 =	vld [tilespmem:s26+$0x0]  }
.LBB2_12:
0xc9: {  	p1 =	sne.s32 s28, $0x1;
	_ =	sdelay $0x3  }
0xca: {  	vm2 =	vge.f32 v4, v3  }
0xcb: {  	v5 =	vsel vm2, $0x1, v2  }
0xcc: {  	(xrf0) =	vadd.scan.msk.s32 $0xffff, v5;
	_ =	sdelay $0x1  }
0xcd: {  	s24 =	sadd.s32 $0x10, s24  }
0xce: {  	v5 =	vld [tilespmem:s24+$0x0];
	_ =	sdelay $0x1  }
0xcf: {  	s29 =	spop (v2sf)  }
.Ltmp11:
0xd0: {  	v6, _, _ =	vpop (xrf0);
	s25 =	sadd.s32 s25, s29;
	(pc) =	sbr.rel @p1 .LBB2_12-.Ltmp11, $4  }
0xd1: {  	[tilespmem:s25+$0x15500] =	vst.msk vm2, v4;
	(v2sf) =	vpush v6, $0xF  }
0xd2: {  	[tilespmem:s25+$0x15F80] =	vst.msk vm2, v5  }
0xd3: {  	s26 =	sadd.s32 $0x10, s26  }
0xd4: {  	s28 =	sadd.s32 $0xFFFFFFFF, s28;
	v4 =	vld [tilespmem:s26+$0x0]  }
.LBB2_13:
0xd5: {  	_ =	sdelay $0x3  }
0xd6: {  	vm2 =	vge.f32 v4, v3  }
0xd7: {  	v3 =	vsel vm2, $0x1, v2  }
0xd8: {  	(xrf0) =	vadd.scan.msk.s32 $0xffff, v3;
	_ =	sdelay $0x5  }
0xd9: {  	v3, _, _ =	vpop (xrf0)  }
0xda: {  	(v2sf) =	vpush v3, $0xF;
	_ =	sdelay $0x8  }
0xdb: {  	s24 =	sadd.s32 @p0 $0x10, s24  }
0xdc: {  	s23 =	smov.u32 @p0 s24  }
0xdd: {  	v3 =	vld [tilespmem:s23+$0x0]  }
0xde: {  	s23 =	spop @p0 (v2sf)  }
0xdf: {  	s23 =	sadd.s32 @p0 s25, s23  }
0xe0: {  	s22 =	smov.u32 @p0 s23  }
0xe1: {  	[tilespmem:s22+$0x15500] =	vst.msk vm2, v4;
	s31 =	spop (v2sf)  }
0xe2: {  	[tilespmem:s22+$0x15F80] =	vst.msk vm2, v3;
	s22 =	sadd.s32 s22, s31  }
.LBB2_14:
0xe3: {  	s23 =	sadd.s32 $0xF, s22  }
0xe4: {  	s24 =	sand.u32 $0xF, s23  }
0xe5: {  	s31 =	sshra.s32 s23, $0x1F;
	p1 =	slt.s32 s23, $0x1;
	p0 =	sne.s32 s24, $0x0  }
0xe6: {  	s24 =	sshrl.u32 s31, $0x1C;
	p0 =	por !p1, !p0  }
0xe7: {  	s23 =	sadd.s32 s24, s23;
	s24 =	simm.s32 $0x1;
	p0 =	por !p0, !p0  }
0xe8: {  	s23 =	sshra.s32 s23, $0x4;
	s24 =	simm.s32 @!p0 $0x0  }
0xe9: {  	s23 =	ssub.s32 s23, s24  }
0xea: {  	p0 =	slt.s32 s23, $0x1  }
.Ltmp12:
0xeb: {  	_ = 	snop;
	(pc) =	sbr.rel @p0 .LBB2_15-.Ltmp12, $4  }
0xec: {  	_ = 	snop  }
0xed: {  	v4 =	vimm.f32 $-Inf  }
0xee: {  	v3 =	vimm.s32 $0x0;
	[tilespmem:s22+$0x15500] =	vst v4  }
0xef: {  	[tilespmem:s22+$0x15F80] =	vst v3  }
0xf0: {  	p2 =	sne.s32 s23, $0x1  }
.Ltmp13:
0xf1: {  	_ = 	snop;
	(pc) =	sbr.rel @!p2 .LBB2_17-.Ltmp13, $4  }
0xf2: {  	_ = 	snop  }
0xf3: {  	s22 =	simm.s32 $0x15500  }
0xf4: {  	s24 =	simm.s32 $0x15F80;
	v5 =	vld [tilespmem:s22+$0x0]  }
0xf5: {  	p0 =	por $0x0, $0x0;
	p1 =	por $0x0, $0x0;
	v6 =	vld [tilespmem:s24+$0x0];
	s22 =	sadd.s32 $0xFFFFFFFF, s23  }
0xf6: {  	p2 =	sne.s32 s22, $0x1  }
.Ltmp14:
0xf7: {  	_ = 	snop;
	(pc) =	sbr.rel @!p2 .LBB2_19-.Ltmp14, $4  }
0xf8: {  	_ = 	snop  }
0xf9: {  	s23 =	simm.s32 $0x15510  }
0xfa: {  	s31 =	simm.s32 $0x15F90;
	(xrf1) =	vsort.ascd.msk.f32 $0xffff, v5, v6;
	v5 =	vld [tilespmem:s23+$0x0]  }
0xfb: {  	s24 =	sadd.s32 $0xFFFFFFFF, s22;
	p0 =	por $0x1, $0x1;
	v6 =	vld [tilespmem:s31+$0x0]  }
0xfc: {  	_ =	sdelay $0xb  }
0xfd: {  	v7, v8, _ =	vpop (xrf1)  }
0xfe: {  	vm2 =	vgt.f32 v7, v4  }
0xff: {  	(xrf1) =	vsort.ascd.msk.f32 $0xffff, v5, v6;
	v6 =	vsel vm2, v7, v4;
	v7 =	vsel vm2, v8, v3  }
0x100: {  	(xrf1) =	vsort.dscd.msk.f32 $0xffff, v6, v7;
	_ =	sdelay $0x6  }
0x101: {  	p2 =	sne.s32 s24, $0x1  }
.Ltmp15:
0x102: {  	_ = 	snop;
	(pc) =	sbr.rel @!p2 .LBB2_22-.Ltmp15, $4  }
0x103: {  	s22 =	simm.s32 $0x15520  }
0x104: {  	s23 =	simm.s32 $0x15FA0;
	v5 =	vld [tilespmem:s22+$0x0]  }
0x105: {  	v6 =	vld [tilespmem:s23+$0x0]  }
0x106: {  	s24 =	sadd.s32 $0xFFFFFFFF, s24;
	p1 =	por $0x1, $0x1  }
.LBB2_21:
0x107: {  	p2 =	sne.s32 s24, $0x1;
	v7, v8, _ =	vpop (xrf1)  }
0x108: {  	v9, v10, _ =	vpop (xrf1)  }
0x109: {  	vm2 =	vgt.f32 v7, v9  }
0x10a: {  	(xrf1) =	vsort.ascd.msk.f32 $0xffff, v5, v6;
	v5 =	vsel vm2, v7, v9;
	v6 =	vsel vm2, v8, v10  }
0x10b: {  	(xrf1) =	vsort.dscd.msk.f32 $0xffff, v5, v6;
	_ =	sdelay $0x7  }
.Ltmp16:
0x10c: {  	(pc) =	sbr.rel @p2 .LBB2_21-.Ltmp16, $4  }
0x10d: {  	s22 =	sadd.s32 $0x10, s22  }
0x10e: {  	s23 =	sadd.s32 $0x10, s23;
	v5 =	vld [tilespmem:s22+$0x0]  }
0x10f: {  	v6 =	vld [tilespmem:s23+$0x0]  }
0x110: {  	s24 =	sadd.s32 $0xFFFFFFFF, s24  }
.LBB2_22:
0x111: {  	v7, v8, _ =	vpop @p0 (xrf1)  }
0x112: {  	v9, v10, _ =	vpop @p1 (xrf1)  }
0x113: {  	v9 =	vpsel p1, v9, v4  }
0x114: {  	v10 =	vpsel p1, v10, v3;
	vm2 =	vgt.f32 @p0 v7, v9  }
0x115: {  	(xrf1) =	vsort.ascd.msk.f32 $0xffff, v5, v6;
	v5 =	vsel @p0 vm2, v7, v9;
	v6 =	vsel @p0 vm2, v8, v10  }
0x116: {  	(xrf1) =	vsort.dscd.msk.f32 @p0 $0xffff, v5, v6;
	_ =	sdelay $0xc  }
0x117: {  	v5, v6, _ =	vpop (xrf1)  }
0x118: {  	v7, v8, _ =	vpop @p0 (xrf1)  }
0x119: {  	v4 =	vpsel p0, v7, v4  }
0x11a: {  	v3 =	vpsel p0, v8, v3;
	vm2 =	vgt.f32 v5, v4  }
0x11b: {  	v4 =	vsel vm2, v5, v4;
	v3 =	vsel vm2, v6, v3  }
0x11c: {  	(xrf1) =	vsort.dscd.msk.f32 $0xffff, v4, v3;
	_ =	sdelay $0xc  }
.Ltmp17:
0x11d: {  	_ = 	snop;
	(pc) =	sbr.rel .LBB2_23-.Ltmp17, $4  }
0x11e: {  	v3, v4, _ =	vpop (xrf1)  }
0x11f: {  	v5 =	vmul.f32 v3, v3  }
0x120: {  	v3 =	vcvt.s32.f32 v4  }
0x121: {  	v4 =	vnsel vm1, $0x0, v5  }
.LBB2_9:
.Ltmp18:
0x122: {  	(pc) =	sbr.rel .LBB2_13-.Ltmp18, $2  }
0x123: {  	_ =	sdelay $0x2  }
0x124: {  	s24 =	simm.s32 $0x14A80;
	s25 =	simm.s32 $0x0  }
.LBB2_17:
.Ltmp19:
0x125: {  	(pc) =	sbr.rel .LBB2_22-.Ltmp19, $2  }
0x126: {  	_ =	sdelay $0x2  }
0x127: {  	_ = 	snop  }
.LBB2_11:
.Ltmp20:
0x128: {  	(pc) =	sbr.rel .LBB2_13-.Ltmp20, $2  }
0x129: {  	_ =	sdelay $0x2  }
0x12a: {  	s24 =	simm.s32 $0x14A80;
	s25 =	simm.s32 $0x0  }
.LBB2_19:
.Ltmp21:
0x12b: {  	(pc) =	sbr.rel .LBB2_22-.Ltmp21, $2  }
0x12c: {  	_ =	sdelay $0x2  }
0x12d: {  	_ = 	snop  }
.LBB2_24:
0x12e: {  	p0 =	seq.s32 s17, $0xF  }
0x12f: {  	s19 =	sadd.s32 @!p0 s19, s6  }
0x130: {  	s19 =	sshrl.u32 @!p0 s19, $0x3  }
0x131: {  	s19 =	smul.u32 @!p0 $0xA00, s19;
	_ =	sdelay $0x1  }
.Ltmp22:
0x132: {  	s20 =	simm.s32 @!p0 $0x0;
	s19 =	sadd.s32 @!p0 s2, s19;
	(pc) =	sbr.rel .LBB2_25-.Ltmp22, $4  }
0x133: {  	[tilespmem:s20], [sflag:$0x1] =	stream.linear.gather @!p0 [hbm4b:s19+s20], $0xA000, $0x38;
	[tilespmem:$0x17080] =	vst v63  }
0x134: {  	_ =	swait.ge [sflag:s13], $0xA000  }
0x135: {  	[sflag:s13] =	ssyncset.done $0x0  }
0x136: {  	s19 =	simm.s32 $0x0;
	s20 =	simm.s32 $0x0;
	[sflag:s13] =	ssyncadd.s32 $0xFFFF6000  }
.LBB2_37:
0x137: {  	v3 =	vimm.f32 $0.0e+00  }
0x138: {  	v4 =	vsel vm0, $0x7F800000, v3  }
.LBB2_45:
0x139: {  	v5 =	vnsel vm1, $0x0, v3  }
0x13a: {  	(xrf2) =	vadd.scan.msk.f32 $0xffff, v5  }
0x13b: {  	(xrf2) =	vadd.scan.msk.f32 $0xffff, v4;
	_ =	sdelay $0x8  }
0x13c: {  	v62, _, _ =	vpop (xrf2)  }
0x13d: {  	(v2sf) =	vpush v62, $0xF;
	v63, _, _ =	vpop (xrf2)  }
0x13e: {  	(v2sf) =	vpush v63, $0xF;
	_ =	sdelay $0xd  }
0x13f: {  	s21 =	spop (v2sf)  }
0x140: {  	s22 =	spop (v2sf)  }
0x141: {  	s22 =	smul.f32 $1.000000010e-01, s22;
	_ =	sdelay $0x1  }
0x142: {  	s22 =	smax.f32 s22, $1.000000000e-30  }
0x143: {  	s23 =	sshra.s32 s22, $0x1;
	s24 =	smul.f32 $5.000000000e-01, s22  }
0x144: {  	s23 =	ssub.s32 $0x5F3759DF, s23  }
0x145: {  	s25 =	smul.f32 s23, s24;
	_ =	sdelay $0x1  }
0x146: {  	s25 =	smul.f32 s23, s25;
	_ =	sdelay $0x1  }
0x147: {  	s25 =	ssub.f32 $1.500000000e+00, s25;
	_ =	sdelay $0x1  }
0x148: {  	s23 =	smul.f32 s23, s25;
	_ =	sdelay $0x1  }
0x149: {  	s25 =	smul.f32 s23, s24;
	_ =	sdelay $0x1  }
0x14a: {  	s25 =	smul.f32 s25, s23;
	_ =	sdelay $0x1  }
0x14b: {  	s25 =	ssub.f32 $1.500000000e+00, s25;
	_ =	sdelay $0x1  }
0x14c: {  	s23 =	smul.f32 s25, s23;
	_ =	sdelay $0x1  }
0x14d: {  	s24 =	smul.f32 s23, s24;
	_ =	sdelay $0x1  }
0x14e: {  	s24 =	smul.f32 s24, s23;
	_ =	sdelay $0x1  }
0x14f: {  	s24 =	ssub.f32 $1.500000000e+00, s24;
	_ =	sdelay $0x1  }
0x150: {  	s23 =	smul.f32 s24, s23  }
0x151: {  	s30 =	sadd.s32 s18, s20;
	s20 =	sadd.s32 $0x1, s20;
	s21 =	smul.f32 $1.000000010e-01, s21  }
0x152: {  	p0 =	sne.s32 s20, $0x10;
	s22 =	smul.f32 s23, s22  }
.Ltmp23:
0x153: {  	v3 =	vperm.xlane v3, v2;
	(pc) =	sbr.rel @!p0 .LBB2_46-.Ltmp23, $4  }
0x154: {  	vm2 =	veq.s32 v1, $0x0;
	s23 =	smul.u32 $0xC, s30  }
0x155: {  	v3 =	vsel vm2, s21, v3;
	vm2 =	veq.s32 v1, $0x2  }
0x156: {  	v3 =	vsel vm2, s22, v3;
	s31 =	sshra.s32 s23, $0x2  }
0x157: {  	s19 =	sadd.s32 $0x1, s19;
	[tilespmem:s31+$0x16A00] =	vst.msk $0x7, v3  }
.LBB2_25:
0x158: {  	s21 =	sshrl.u32 s20, $0x3  }
0x159: {  	s22 =	sand.u32 $0x7, s19;
	s21 =	smul.u32 $0x14000, s21  }
0x15a: {  	s22 =	sshll.u32 s22, $0x9  }
0x15b: {  	s21 =	sor.u32 s22, s21  }
0x15c: {  	s21 =	sshra.s32 s21, $0x2  }
0x15d: {  	s21 =	sadd.s32 $0xA040, s21  }
0x15e: {  	v6 =	vld [tilespmem:s21+$0x10]  }
0x15f: {  	v4 =	vld [tilespmem:s21+$0xFFFFFFC0]  }
0x160: {  	v5 =	vld [tilespmem:s21+$0xFFFFFFD0]  }
0x161: {  	v7 =	vld [tilespmem:s21+$0xFFFFFFE0]  }
0x162: {  	v8 =	vld [tilespmem:s21+$0xFFFFFFF0]  }
0x163: {  	v9 =	vimm.f32 $-Inf;
	v10 =	vld [tilespmem:s21+$0x0]  }
0x164: {  	s22 =	sadd.s32 $0x400, s21;
	v12 =	vld [tilespmem:s21+$0x20];
	v11 =	vmin.f32 v9, v4;
	v4 =	vmax.f32 v9, v4  }
0x165: {  	v3 =	vld [tilespmem:s22+$0x10];
	v9 =	vmax.f32 v9, v11;
	v11 =	vmin.f32 v4, v5;
	v4 =	vmax.f32 v4, v5  }
0x166: {  	v5 =	vmax.f32 v9, v11;
	v9 =	vmin.f32 v4, v7;
	v4 =	vmax.f32 v4, v7;
	v11 =	vld [tilespmem:s21+$0x30]  }
0x167: {  	v7 =	vld [tilespmem:s22+$0xFFFFFFC0];
	v5 =	vmax.f32 v5, v9;
	v9 =	vmin.f32 v4, v8;
	v8 =	vmax.f32 v4, v8  }
0x168: {  	v4 =	vld [tilespmem:s22+$0xFFFFFFD0];
	v9 =	vmax.f32 v5, v9;
	v13 =	vmin.f32 v8, v10;
	v8 =	vmax.f32 v8, v10  }
0x169: {  	v5 =	vld [tilespmem:s22+$0xFFFFFFE0];
	v9 =	vmax.f32 v9, v13;
	v10 =	vmin.f32 v8, v6;
	v8 =	vmax.f32 v8, v6  }
0x16a: {  	v6 =	vld [tilespmem:s22+$0xFFFFFFF0];
	v9 =	vmax.f32 v9, v10;
	v10 =	vmin.f32 v8, v12;
	v12 =	vmax.f32 v8, v12  }
0x16b: {  	s23 =	simm.s32 $0x8;
	s24 =	sadd.s32 $0x400, s22;
	v8 =	vld [tilespmem:s22+$0x0];
	v9 =	vmax.f32 v9, v10;
	v10 =	vmin.f32 v12, v11;
	v11 =	vmax.f32 v12, v11  }
.LBB2_26:
0x16c: {  	v12 =	vld [tilespmem:s24+$0x10];
	s23 =	sadd.s32 $0x8, s23;
	v13 =	vmin.f32 v11, v7;
	v7 =	vmax.f32 v11, v7;
	v9 =	vmax.f32 v9, v10  }
0x16d: {  	p0 =	slt.u32 s23, $0x98;
	v9 =	vmax.f32 v9, v13;
	v10 =	vmin.f32 v7, v4;
	v4 =	vmax.f32 v7, v4;
	v11 =	vld [tilespmem:s22+$0x20]  }
0x16e: {  	v9 =	vmax.f32 v9, v10;
	v10 =	vmin.f32 v4, v5;
	v4 =	vmax.f32 v4, v5;
	v13 =	vld [tilespmem:s22+$0x30];
	s22 =	smov.u32 s24  }
.Ltmp24:
0x16f: {  	v7 =	vld [tilespmem:s24+$0xFFFFFFC0];
	v5 =	vmax.f32 v9, v10;
	v9 =	vmin.f32 v4, v6;
	v6 =	vmax.f32 v4, v6;
	(pc) =	sbr.rel @p0 .LBB2_26-.Ltmp24, $4  }
0x170: {  	v4 =	vld [tilespmem:s24+$0xFFFFFFD0];
	v9 =	vmax.f32 v5, v9;
	v10 =	vmin.f32 v6, v8;
	v6 =	vmax.f32 v6, v8  }
0x171: {  	v5 =	vld [tilespmem:s24+$0xFFFFFFE0];
	v8 =	vmax.f32 v9, v10;
	v9 =	vmin.f32 v6, v3;
	v10 =	vmax.f32 v6, v3;
	v3 =	vmovc v12  }
0x172: {  	v6 =	vld [tilespmem:s24+$0xFFFFFFF0];
	v9 =	vmax.f32 v8, v9;
	v12 =	vmin.f32 v10, v11;
	v11 =	vmax.f32 v10, v11  }
0x173: {  	s24 =	sadd.s32 $0x400, s24;
	v8 =	vld [tilespmem:s22+$0x0];
	v9 =	vmax.f32 v9, v12;
	v10 =	vmin.f32 v11, v13;
	v11 =	vmax.f32 v11, v13  }
0x174: {  	v12 =	vmax.f32 v11, v7  }
0x175: {  	v7 =	vmin.f32 v11, v7;
	v9 =	vmax.f32 v9, v10;
	v61 =	vld [tilespmem:s22+$0x20];
	v60 =	vmax.f32 v12, v4  }
0x176: {  	v63 =	vld [tilespmem:s22+$0x30];
	v7 =	vmax.f32 v9, v7;
	v4 =	vmin.f32 v12, v4;
	v62 =	vmax.f32 v60, v5  }
0x177: {  	v4 =	vmax.f32 v7, v4;
	v5 =	vmin.f32 v60, v5;
	v7 =	vmax.f32 v62, v6  }
0x178: {  	v4 =	vmax.f32 v4, v5;
	v5 =	vmin.f32 v62, v6;
	v6 =	vmax.f32 v7, v8  }
0x179: {  	v4 =	vmax.f32 v4, v5;
	v5 =	vmin.f32 v7, v8;
	v7 =	vmax.f32 v6, v3  }
0x17a: {  	v4 =	vmax.f32 v4, v5;
	v3 =	vmin.f32 v6, v3;
	v5 =	vmax.f32 v7, v61  }
0x17b: {  	v3 =	vmax.f32 v4, v3;
	v4 =	vmin.f32 v7, v61;
	v6 =	vmax.f32 v5, v63  }
0x17c: {  	v3 =	vmax.f32 v3, v4;
	v4 =	vmin.f32 v5, v63;
	(xrf1) =	vsort.ascd.msk.f32 $0xffff, v6, v6  }
0x17d: {  	v3 =	vmax.f32 v3, v4  }
0x17e: {  	(xrf1) =	vsort.ascd.msk.f32 $0xffff, v3, v3;
	_ =	sdelay $0x8  }
0x17f: {  	v4 =	vlaneseq.u32  }
0x180: {  	v3 =	vmul.u32 $0xFFFFFFFF, v4;
	_ =	sdelay $0x1  }
0x181: {  	v3 =	vadd.s32 $0xF, v3;
	v5, _, _ =	vpop (xrf1)  }
0x182: {  	v3 =	vperm.xlane v5, v3  }
0x183: {  	v5, _, _ =	vpop (xrf1)  }
0x184: {  	v3 =	vmax.f32 v3, v5  }
0x185: {  	(xrf1) =	vsort.ascd.msk.f32 $0xffff, v3, v3;
	_ =	sdelay $0xd  }
0x186: {  	v3, _, _ =	vpop (xrf1)  }
0x187: {  	s22 =	simm.s32 $0xFFFFFFF8;
	v5 =	vimm.s32 $0x0;
	v3 =	vperm.xlane v3, v0  }
.LBB2_28:
0x188: {  	v6 =	vld [tilespmem:s21+$0xFFFFFFC0];
	v7 =	vadd.s32 v1, v5;
	_ =	sdelay $0x4  }
0x189: {  	vm2 =	vge.f32 v6, v3;
	[tilespmem:v7+s11+$0x0] =	vst.idx.msk $0xffff, v6  }
0x18a: {  	v6 =	vmpcnt.ones.xlane vm2;
	[tilespmem:v7+s12+$0x0] =	vst.idx.msk $0xffff, v4  }
0x18b: {  	v7 =	vld [tilespmem:s21+$0xFFFFFFD0]  }
0x18c: {  	vm2 =	vlt.s32 v6, $0x1  }
0x18d: {  	v6 =	vnsel vm2, $0x1, v6  }
0x18e: {  	v6 =	vshll.u32 v6, $0x4  }
0x18f: {  	v5 =	vadd.s32 v5, v6  }
0x190: {  	vm2 =	vge.f32 v7, v3;
	v6 =	vadd.s32 v1, v5  }
0x191: {  	v8 =	vmpcnt.ones.xlane vm2;
	_ =	sdelay $0x1  }
0x192: {  	vm2 =	vlt.s32 v8, $0x1  }
0x193: {  	v8 =	vnsel vm2, $0x1, v8  }
0x194: {  	v9 =	vadd.s32 $0x10, v4;
	[tilespmem:v6+s11+$0x0] =	vst.idx.msk $0xffff, v7;
	v7 =	vshll.u32 v8, $0x4  }
0x195: {  	[tilespmem:v6+s12+$0x0] =	vst.idx.msk $0xffff, v9;
	v5 =	vadd.s32 v5, v7  }
0x196: {  	v6 =	vld [tilespmem:s21+$0xFFFFFFE0];
	v7 =	vadd.s32 v1, v5;
	_ =	sdelay $0x4  }
0x197: {  	v55 =	vadd.s32 $0x20, v4;
	vm2 =	vge.f32 v6, v3;
	[tilespmem:v7+s11+$0x0] =	vst.idx.msk $0xffff, v6  }
0x198: {  	v6 =	vmpcnt.ones.xlane vm2;
	[tilespmem:v7+s12+$0x0] =	vst.idx.msk $0xffff, v55  }
0x199: {  	v7 =	vld [tilespmem:s21+$0xFFFFFFF0]  }
0x19a: {  	vm2 =	vlt.s32 v6, $0x1  }
0x19b: {  	v6 =	vnsel vm2, $0x1, v6  }
0x19c: {  	v6 =	vshll.u32 v6, $0x4  }
0x19d: {  	v5 =	vadd.s32 v5, v6  }
0x19e: {  	vm2 =	vge.f32 v7, v3;
	v6 =	vadd.s32 v1, v5  }
0x19f: {  	v56 =	vmpcnt.ones.xlane vm2;
	_ =	sdelay $0x1  }
0x1a0: {  	vm2 =	vlt.s32 v56, $0x1  }
0x1a1: {  	v8 =	vnsel vm2, $0x1, v56  }
0x1a2: {  	v57 =	vadd.s32 $0x30, v4;
	[tilespmem:v6+s11+$0x0] =	vst.idx.msk $0xffff, v7;
	v7 =	vshll.u32 v8, $0x4  }
0x1a3: {  	[tilespmem:v6+s12+$0x0] =	vst.idx.msk $0xffff, v57;
	v5 =	vadd.s32 v5, v7  }
0x1a4: {  	v6 =	vld [tilespmem:s21+$0x0];
	v7 =	vadd.s32 v1, v5;
	_ =	sdelay $0x4  }
0x1a5: {  	v58 =	vadd.s32 $0x40, v4;
	vm2 =	vge.f32 v6, v3;
	[tilespmem:v7+s11+$0x0] =	vst.idx.msk $0xffff, v6  }
0x1a6: {  	v6 =	vmpcnt.ones.xlane vm2;
	[tilespmem:v7+s12+$0x0] =	vst.idx.msk $0xffff, v58  }
0x1a7: {  	v7 =	vld [tilespmem:s21+$0x10]  }
0x1a8: {  	vm2 =	vlt.s32 v6, $0x1  }
0x1a9: {  	v6 =	vnsel vm2, $0x1, v6  }
0x1aa: {  	v6 =	vshll.u32 v6, $0x4  }
0x1ab: {  	v5 =	vadd.s32 v5, v6  }
0x1ac: {  	vm2 =	vge.f32 v7, v3;
	v6 =	vadd.s32 v1, v5  }
0x1ad: {  	v59 =	vmpcnt.ones.xlane vm2;
	_ =	sdelay $0x1  }
0x1ae: {  	vm2 =	vlt.s32 v59, $0x1  }
0x1af: {  	v8 =	vnsel vm2, $0x1, v59  }
0x1b0: {  	v60 =	vadd.s32 $0x50, v4;
	[tilespmem:v6+s11+$0x0] =	vst.idx.msk $0xffff, v7;
	v7 =	vshll.u32 v8, $0x4  }
0x1b1: {  	[tilespmem:v6+s12+$0x0] =	vst.idx.msk $0xffff, v60;
	v5 =	vadd.s32 v5, v7  }
0x1b2: {  	v6 =	vld [tilespmem:s21+$0x20];
	v7 =	vadd.s32 v1, v5;
	_ =	sdelay $0x4  }
0x1b3: {  	v61 =	vadd.s32 $0x60, v4;
	vm2 =	vge.f32 v6, v3;
	[tilespmem:v7+s11+$0x0] =	vst.idx.msk $0xffff, v6  }
0x1b4: {  	v6 =	vmpcnt.ones.xlane vm2;
	[tilespmem:v7+s12+$0x0] =	vst.idx.msk $0xffff, v61  }
0x1b5: {  	v7 =	vld [tilespmem:s21+$0x30]  }
0x1b6: {  	vm2 =	vlt.s32 v6, $0x1  }
0x1b7: {  	v6 =	vnsel vm2, $0x1, v6  }
0x1b8: {  	v6 =	vshll.u32 v6, $0x4  }
0x1b9: {  	v5 =	vadd.s32 v5, v6  }
0x1ba: {  	s22 =	sadd.s32 $0x8, s22;
	vm2 =	vge.f32 v7, v3;
	v6 =	vadd.s32 v1, v5  }
0x1bb: {  	p0 =	slt.u32 s22, $0x98;
	v62 =	vmpcnt.ones.xlane vm2  }
.Ltmp25:
0x1bc: {  	_ = 	snop;
	(pc) =	sbr.rel @p0 .LBB2_28-.Ltmp25, $4  }
0x1bd: {  	vm2 =	vlt.s32 v62, $0x1  }
0x1be: {  	v8 =	vnsel vm2, $0x1, v62  }
0x1bf: {  	v63 =	vadd.s32 $0x70, v4;
	[tilespmem:v6+s11+$0x0] =	vst.idx.msk $0xffff, v7;
	v7 =	vshll.u32 v8, $0x4  }
0x1c0: {  	v4 =	vadd.s32 $0x80, v4;
	s21 =	sadd.s32 $0x400, s21;
	[tilespmem:v6+s12+$0x0] =	vst.idx.msk $0xffff, v63;
	v5 =	vadd.s32 v5, v7  }
0x1c1: {  	v4 =	vcvt.s32.f32 v5;
	_ =	sdelay $0x1  }
0x1c2: {  	(xrf0) =	vmax.scan.msk.f32 $0xffff, v4;
	_ =	sdelay $0x5  }
0x1c3: {  	v4, _, _ =	vpop (xrf0)  }
0x1c4: {  	(v2sf) =	vpush v4, $0xF;
	_ =	sdelay $0xe  }
0x1c5: {  	s21 =	spop (v2sf)  }
0x1c6: {  	s21 =	smul.f32 $6.250000000e-02, s21;
	_ =	sdelay $0x1  }
0x1c7: {  	s23 =	scvt.f32.s32 s21;
	_ =	sdelay $0x1  }
0x1c8: {  	p0 =	slt.s32 s23, $0x1  }
.Ltmp26:
0x1c9: {  	_ = 	snop;
	(pc) =	sbr.rel @p0 .LBB2_36-.Ltmp26, $2  }
0x1ca: {  	_ =	sdelay $0x2  }
0x1cb: {  	s21 =	simm.s32 $0x0  }
0x1cc: {  	p1 =	sne.s32 s23, $0x1  }
.Ltmp27:
0x1cd: {  	_ = 	snop;
	(pc) =	sbr.rel @!p1 .LBB2_31-.Ltmp27, $3  }
0x1ce: {  	_ =	sdelay $0x1  }
0x1cf: {  	s24 =	simm.s32 $0x14000  }
0x1d0: {  	s22 =	simm.s32 $0x14A80;
	s23 =	sadd.s32 $0xFFFFFFFF, s23;
	p0 =	por $0x0, $0x0;
	v4 =	vld [tilespmem:s24+$0x0]  }
0x1d1: {  	_ =	sdelay $0x3  }
0x1d2: {  	vm2 =	vge.f32 v4, v3  }
0x1d3: {  	v5 =	vsel vm2, $0x1, v2  }
0x1d4: {  	(xrf0) =	vadd.scan.msk.s32 $0xffff, v5;
	_ =	sdelay $0x3  }
0x1d5: {  	v5 =	vld [tilespmem:s22+$0x0]  }
0x1d6: {  	p1 =	sne.s32 s23, $0x1  }
.Ltmp28:
0x1d7: {  	[tilespmem:s21+$0x15500] =	vst.msk vm2, v4;
	v4, _, _ =	vpop (xrf0);
	(pc) =	sbr.rel @!p1 .LBB2_33-.Ltmp28, $3  }
0x1d8: {  	(v2sf) =	vpush v4, $0xF;
	_ =	sdelay $0x1  }
0x1d9: {  	s25 =	simm.s32 $0x14010;
	s26 =	sadd.s32 $0xFFFFFFFF, s23;
	[tilespmem:s21+$0x15F80] =	vst.msk vm2, v5  }
0x1da: {  	p0 =	por $0x1, $0x1;
	s23 =	simm.s32 $0x14A80;
	s24 =	simm.s32 $0x0;
	v4 =	vld [tilespmem:s25+$0x0]  }
.LBB2_34:
0x1db: {  	p1 =	sne.s32 s26, $0x1;
	_ =	sdelay $0x3  }
0x1dc: {  	vm2 =	vge.f32 v4, v3  }
0x1dd: {  	v5 =	vsel vm2, $0x1, v2  }
0x1de: {  	(xrf0) =	vadd.scan.msk.s32 $0xffff, v5;
	_ =	sdelay $0x1  }
0x1df: {  	s23 =	sadd.s32 $0x10, s23  }
0x1e0: {  	v5 =	vld [tilespmem:s23+$0x0];
	_ =	sdelay $0x1  }
0x1e1: {  	s28 =	spop (v2sf)  }
.Ltmp29:
0x1e2: {  	v6, _, _ =	vpop (xrf0);
	s24 =	sadd.s32 s24, s28;
	(pc) =	sbr.rel @p1 .LBB2_34-.Ltmp29, $4  }
0x1e3: {  	[tilespmem:s24+$0x15500] =	vst.msk vm2, v4;
	(v2sf) =	vpush v6, $0xF  }
0x1e4: {  	[tilespmem:s24+$0x15F80] =	vst.msk vm2, v5  }
0x1e5: {  	s25 =	sadd.s32 $0x10, s25  }
0x1e6: {  	s26 =	sadd.s32 $0xFFFFFFFF, s26;
	v4 =	vld [tilespmem:s25+$0x0]  }
.LBB2_35:
0x1e7: {  	_ =	sdelay $0x3  }
0x1e8: {  	vm2 =	vge.f32 v4, v3  }
0x1e9: {  	v3 =	vsel vm2, $0x1, v2  }
0x1ea: {  	(xrf0) =	vadd.scan.msk.s32 $0xffff, v3;
	_ =	sdelay $0x5  }
0x1eb: {  	v3, _, _ =	vpop (xrf0)  }
0x1ec: {  	(v2sf) =	vpush v3, $0xF;
	_ =	sdelay $0x8  }
0x1ed: {  	s23 =	sadd.s32 @p0 $0x10, s23  }
0x1ee: {  	s22 =	smov.u32 @p0 s23  }
0x1ef: {  	v3 =	vld [tilespmem:s22+$0x0]  }
0x1f0: {  	s22 =	spop @p0 (v2sf)  }
0x1f1: {  	s22 =	sadd.s32 @p0 s24, s22  }
0x1f2: {  	s21 =	smov.u32 @p0 s22  }
0x1f3: {  	[tilespmem:s21+$0x15500] =	vst.msk vm2, v4;
	s31 =	spop (v2sf)  }
0x1f4: {  	[tilespmem:s21+$0x15F80] =	vst.msk vm2, v3;
	s21 =	sadd.s32 s21, s31  }
.LBB2_36:
0x1f5: {  	s22 =	sadd.s32 $0xF, s21  }
0x1f6: {  	s23 =	sand.u32 $0xF, s22  }
0x1f7: {  	s31 =	sshra.s32 s22, $0x1F;
	p1 =	slt.s32 s22, $0x1;
	p0 =	sne.s32 s23, $0x0  }
0x1f8: {  	s23 =	sshrl.u32 s31, $0x1C;
	p0 =	por !p1, !p0  }
0x1f9: {  	s22 =	sadd.s32 s23, s22;
	s23 =	simm.s32 $0x1;
	p0 =	por !p0, !p0  }
0x1fa: {  	s22 =	sshra.s32 s22, $0x4;
	s23 =	simm.s32 @!p0 $0x0  }
0x1fb: {  	s22 =	ssub.s32 s22, s23  }
0x1fc: {  	p0 =	slt.s32 s22, $0x1  }
.Ltmp30:
0x1fd: {  	_ = 	snop;
	(pc) =	sbr.rel @p0 .LBB2_37-.Ltmp30, $4  }
0x1fe: {  	_ = 	snop  }
0x1ff: {  	v4 =	vimm.f32 $-Inf  }
0x200: {  	v3 =	vimm.s32 $0x0;
	[tilespmem:s21+$0x15500] =	vst v4  }
0x201: {  	[tilespmem:s21+$0x15F80] =	vst v3  }
0x202: {  	p2 =	sne.s32 s22, $0x1  }
.Ltmp31:
0x203: {  	_ = 	snop;
	(pc) =	sbr.rel @!p2 .LBB2_39-.Ltmp31, $4  }
0x204: {  	_ = 	snop  }
0x205: {  	s21 =	simm.s32 $0x15500  }
0x206: {  	s23 =	simm.s32 $0x15F80;
	v5 =	vld [tilespmem:s21+$0x0]  }
0x207: {  	p0 =	por $0x0, $0x0;
	p1 =	por $0x0, $0x0;
	v6 =	vld [tilespmem:s23+$0x0];
	s21 =	sadd.s32 $0xFFFFFFFF, s22  }
0x208: {  	p2 =	sne.s32 s21, $0x1  }
.Ltmp32:
0x209: {  	_ = 	snop;
	(pc) =	sbr.rel @!p2 .LBB2_41-.Ltmp32, $4  }
0x20a: {  	_ = 	snop  }
0x20b: {  	s22 =	simm.s32 $0x15510  }
0x20c: {  	s31 =	simm.s32 $0x15F90;
	(xrf1) =	vsort.ascd.msk.f32 $0xffff, v5, v6;
	v5 =	vld [tilespmem:s22+$0x0]  }
0x20d: {  	s23 =	sadd.s32 $0xFFFFFFFF, s21;
	p0 =	por $0x1, $0x1;
	v6 =	vld [tilespmem:s31+$0x0]  }
0x20e: {  	_ =	sdelay $0xb  }
0x20f: {  	v7, v8, _ =	vpop (xrf1)  }
0x210: {  	vm2 =	vgt.f32 v7, v4  }
0x211: {  	(xrf1) =	vsort.ascd.msk.f32 $0xffff, v5, v6;
	v6 =	vsel vm2, v7, v4;
	v7 =	vsel vm2, v8, v3  }
0x212: {  	(xrf1) =	vsort.dscd.msk.f32 $0xffff, v6, v7;
	_ =	sdelay $0x6  }
0x213: {  	p2 =	sne.s32 s23, $0x1  }
.Ltmp33:
0x214: {  	_ = 	snop;
	(pc) =	sbr.rel @!p2 .LBB2_44-.Ltmp33, $4  }
0x215: {  	s21 =	simm.s32 $0x15520  }
0x216: {  	s22 =	simm.s32 $0x15FA0;
	v5 =	vld [tilespmem:s21+$0x0]  }
0x217: {  	v6 =	vld [tilespmem:s22+$0x0]  }
0x218: {  	s23 =	sadd.s32 $0xFFFFFFFF, s23;
	p1 =	por $0x1, $0x1  }
.LBB2_43:
0x219: {  	p2 =	sne.s32 s23, $0x1;
	v7, v8, _ =	vpop (xrf1)  }
0x21a: {  	v9, v10, _ =	vpop (xrf1)  }
0x21b: {  	vm2 =	vgt.f32 v7, v9  }
0x21c: {  	(xrf1) =	vsort.ascd.msk.f32 $0xffff, v5, v6;
	v5 =	vsel vm2, v7, v9;
	v6 =	vsel vm2, v8, v10  }
0x21d: {  	(xrf1) =	vsort.dscd.msk.f32 $0xffff, v5, v6;
	_ =	sdelay $0x7  }
.Ltmp34:
0x21e: {  	(pc) =	sbr.rel @p2 .LBB2_43-.Ltmp34, $4  }
0x21f: {  	s21 =	sadd.s32 $0x10, s21  }
0x220: {  	s22 =	sadd.s32 $0x10, s22;
	v5 =	vld [tilespmem:s21+$0x0]  }
0x221: {  	v6 =	vld [tilespmem:s22+$0x0]  }
0x222: {  	s23 =	sadd.s32 $0xFFFFFFFF, s23  }
.LBB2_44:
0x223: {  	v7, v8, _ =	vpop @p0 (xrf1)  }
0x224: {  	v9, v10, _ =	vpop @p1 (xrf1)  }
0x225: {  	v9 =	vpsel p1, v9, v4  }
0x226: {  	v10 =	vpsel p1, v10, v3;
	vm2 =	vgt.f32 @p0 v7, v9  }
0x227: {  	(xrf1) =	vsort.ascd.msk.f32 $0xffff, v5, v6;
	v5 =	vsel @p0 vm2, v7, v9;
	v6 =	vsel @p0 vm2, v8, v10  }
0x228: {  	(xrf1) =	vsort.dscd.msk.f32 @p0 $0xffff, v5, v6;
	_ =	sdelay $0xc  }
0x229: {  	v5, v6, _ =	vpop (xrf1)  }
0x22a: {  	v7, v8, _ =	vpop @p0 (xrf1)  }
0x22b: {  	v4 =	vpsel p0, v7, v4  }
0x22c: {  	v3 =	vpsel p0, v8, v3;
	vm2 =	vgt.f32 v5, v4  }
0x22d: {  	v4 =	vsel vm2, v5, v4;
	v3 =	vsel vm2, v6, v3  }
0x22e: {  	(xrf1) =	vsort.dscd.msk.f32 $0xffff, v4, v3;
	_ =	sdelay $0xc  }
.Ltmp35:
0x22f: {  	_ = 	snop;
	(pc) =	sbr.rel .LBB2_45-.Ltmp35, $4  }
0x230: {  	v3, v4, _ =	vpop (xrf1)  }
0x231: {  	v5 =	vmul.f32 v3, v3  }
0x232: {  	v3 =	vcvt.s32.f32 v4  }
0x233: {  	v4 =	vnsel vm1, $0x0, v5  }
.LBB2_31:
.Ltmp36:
0x234: {  	(pc) =	sbr.rel .LBB2_35-.Ltmp36, $2  }
0x235: {  	_ =	sdelay $0x2  }
0x236: {  	s23 =	simm.s32 $0x14A80;
	s24 =	simm.s32 $0x0  }
.LBB2_39:
.Ltmp37:
0x237: {  	(pc) =	sbr.rel .LBB2_44-.Ltmp37, $2  }
0x238: {  	_ =	sdelay $0x2  }
0x239: {  	_ = 	snop  }
.LBB2_33:
.Ltmp38:
0x23a: {  	(pc) =	sbr.rel .LBB2_35-.Ltmp38, $2  }
0x23b: {  	_ =	sdelay $0x2  }
0x23c: {  	s23 =	simm.s32 $0x14A80;
	s24 =	simm.s32 $0x0  }
.LBB2_41:
.Ltmp39:
0x23d: {  	(pc) =	sbr.rel .LBB2_44-.Ltmp39, $2  }
0x23e: {  	_ =	sdelay $0x2  }
0x23f: {  	_ = 	snop  }
.LBB2_48:
0x240: {  	_ =	sfence.sel $0x180000  }
0x241: {  	[bflag:$0x0] =	sbarrier.arrive $0xFFFF  }
0x242: {  	p0 =	sne.s32 s0, $0x0;
	_ =	strace $0x90000047  }
0x243: {  	s0 =	sadd.s32 @!p0 $0x100000, s1;
	[bflag:$0x2] =	sbarrier.arrive $0xFFFF  }
0x244: {  	[sflag:s0] =	ssyncadd.tile.s32 @!p0 $0x1;
	_ =	shalt  }
.Lfunc_end2:
_tile_overlayer_lowered:
.L_overlay_start_2:
0x245: {  	(tag) =	ssettag $0x2  }
0x246: {  	s0 =	rddreg [dreg:$0x0];
	s2 =	stileid.u32  }
0x247: {  	s1 =	rddreg [dreg:$0x1];
	p0 =	sne.s32 s2, $0x0  }
0x248: {  	s3 =	rddreg [dreg:$0x2];
	[bflag:$0x3] =	sbarrier.arrive $0xFFFF;
	s2 =	simm.s32 @!p0 $0x1C03  }
0x249: {  	[timem:s3], [sflag:s2] =	dma.local @!p0 [hbm:s0], s1  }
0x24a: {  	s0 =	simm.s32 @!p0 $0x3  }
0x24b: {  	_ =	swait.ge @!p0 [sflag:s0], s1  }
0x24c: {  	s1 =	ssub.s32 @!p0 $0x0, s1;
	[sflag:s0] =	ssyncset.done @!p0 $0x0  }
0x24d: {  	[sflag:s0] =	ssyncadd.s32 @!p0 s1  }
0x24e: {  	[bflag:$0x3] =	sbarrier.arrive $0xFFFF  }
0x24f: {  	_ =	shalt  }

</sc_bundles>
